<compile_context>
chip_gen: v7x
topology: tpu7x:2x2x1
jax: 0.10.2.dev20260603
libtpu: 0.0.44.dev20260713+nightly
codegen_flags: <defaults>
</compile_context>

<pallas_src>
import functools

import jax
import jax.numpy as jnp
from jax import lax
from jax.experimental import pallas as pl
from jax.experimental.pallas import tpu as pltpu
from jax.experimental.pallas import tpu_sc as plsc

NW = 32
LANES = 16


def _ceil_to(x, m):
    return (x + m - 1) // m * m


def _make_deg_kernel(n_nodes, dtbl, e):
    epw = e // NW
    unroll = 5 if (epw // LANES) % 5 == 0 else 1
    mesh = plsc.VectorSubcoreMesh(core_axis_name="c", subcore_axis_name="s")

    @functools.partial(
        pl.kernel,
        out_type=jax.ShapeDtypeStruct((NW, dtbl), jnp.float32),
        mesh=mesh,
        compiler_params=pltpu.CompilerParams(needs_layout_passes=False),
        scratch_types=[
            pltpu.VMEM((epw,), jnp.int32),
            pltpu.VMEM((dtbl,), jnp.float32),
            pltpu.SemaphoreType.DMA,
        ],
    )
    def deg_kernel(edge_hbm, out_hbm, dst_v, cnt_v, sem):
        cid = lax.axis_index("c")
        sid = lax.axis_index("s")
        wid = sid * 2 + cid
        base = wid * epw
        cp = pltpu.make_async_copy(edge_hbm.at[pl.ds(e + base, epw)], dst_v,
                                   sem)
        cp.start()

        zeros = jnp.zeros((LANES,), jnp.float32)

        def zbody(i, _):
            cnt_v[pl.ds(i * LANES, LANES)] = zeros
            return 0

        lax.fori_loop(0, dtbl // LANES, zbody, 0, unroll=4)
        cp.wait()

        ones = jnp.ones((LANES,), jnp.float32)

        def ebody(i, _):
            for u in range(unroll):
                d16 = dst_v[pl.ds((i * unroll + u) * LANES, LANES)]
                plsc.addupdate_scatter(cnt_v, [d16], ones)
            return 0

        lax.fori_loop(0, epw // LANES // unroll, ebody, 0)
        pltpu.sync_copy(cnt_v, out_hbm.at[wid])

    return deg_kernel


def _make_agg_kernel(n_nodes, d, dtbl, e):
    epw = e // NW
    d2 = d // 2
    unroll = 5 if (epw // LANES) % 5 == 0 else 1
    mesh = plsc.VectorSubcoreMesh(core_axis_name="c", subcore_axis_name="s")

    scratch = [pltpu.VMEM((d2, n_nodes), jnp.int32),
               pltpu.VMEM((d, dtbl), jnp.float32),
               pltpu.VMEM((epw,), jnp.int32),
               pltpu.VMEM((epw,), jnp.int32)] + [pltpu.SemaphoreType.DMA] * 3

    @functools.partial(
        pl.kernel,
        out_type=jax.ShapeDtypeStruct((NW, d, dtbl), jnp.float32),
        mesh=mesh,
        compiler_params=pltpu.CompilerParams(needs_layout_passes=False),
        scratch_types=scratch,
    )
    def agg_kernel(gp_hbm, edge_hbm, out_hbm,
                   g_v, acc_v, src_v, dst_v, s0, s2, s3):
        cid = lax.axis_index("c")
        sid = lax.axis_index("s")
        wid = sid * 2 + cid
        base = wid * epw
        copies = [
            pltpu.make_async_copy(gp_hbm, g_v, s0),
            pltpu.make_async_copy(edge_hbm.at[pl.ds(base, epw)], src_v, s2),
            pltpu.make_async_copy(edge_hbm.at[pl.ds(e + base, epw)], dst_v,
                                  s3),
        ]
        for cp in copies:
            cp.start()

        zeros = jnp.zeros((LANES,), jnp.float32)

        def zbody(i, _):
            for j in range(d):
                acc_v[j, pl.ds(i * LANES, LANES)] = zeros
            return 0

        lax.fori_loop(0, dtbl // LANES, zbody, 0, unroll=2)
        for cp in copies:
            cp.wait()

        rows = [jnp.full((LANES,), k, jnp.int32) for k in range(d2)]
        arows = [jnp.full((LANES,), j, jnp.int32) for j in range(d)]
        himask = jnp.full((LANES,), -65536, jnp.int32)

        def ebody(i, _):
            for u in range(unroll):
                off = (i * unroll + u) * LANES
                s16 = src_v[pl.ds(off, LANES)]
                d16 = dst_v[pl.ds(off, LANES)]
                for k in range(d2):
                    w16 = plsc.load_gather(g_v, [rows[k], s16])
                    lo = plsc.bitcast(w16 << 16, jnp.float32)
                    hi = plsc.bitcast(w16 & himask, jnp.float32)
                    plsc.addupdate_scatter(acc_v, [arows[2 * k], d16], lo)
                    plsc.addupdate_scatter(acc_v, [arows[2 * k + 1], d16],
                                           hi)
            return 0

        lax.fori_loop(0, epw // LANES // unroll, ebody, 0)
        pltpu.sync_copy(acc_v, out_hbm.at[wid])

    return agg_kernel


def _mm_body(x_ref, w1_ref, p1_ref):
    p1_ref[...] = lax.dot_general(
        w1_ref[...], x_ref[...],
        dimension_numbers=(((0,), (1,)), ((), ())),
        preferred_element_type=jnp.float32)


def _write_packed(g, gp_ref):
    u = lax.bitcast_convert_type(g, jnp.int32) + 0x8000
    for k in range(g.shape[0] // 2):
        gp_ref[k, :] = (lax.shift_right_logical(u[2 * k], 16)
                        | (u[2 * k + 1] & (-65536)))


def _dis_body(degp_ref, p1_ref, dis_ref, g1_ref, g1p_ref, *, n_nodes):
    deg = jnp.sum(degp_ref[...], axis=0) + 1.0
    dis = lax.rsqrt(deg)
    dis_ref[...] = dis
    g1 = p1_ref[...] * dis[:n_nodes]
    g1_ref[...] = g1
    _write_packed(g1, g1p_ref)


def _post_body(part_ref, g_ref, dis_ref, b_ref, w_ref, o_ref, op_ref,
               *, n_nodes):
    dis = dis_ref[...][:n_nodes]
    s = jnp.sum(part_ref[...], axis=0)[:, :n_nodes] + g_ref[...]
    h = jnp.tanh(dis * s + b_ref[...])
    g_next = dis * lax.dot_general(
        w_ref[...], h,
        dimension_numbers=(((0,), (0,)), ((), ())),
        preferred_element_type=jnp.float32)
    o_ref[...] = g_next
    _write_packed(g_next, op_ref)


def _final_body(part_ref, g_ref, dis_ref, b_ref, wc_ref, bc_ref,
                out_ref, h_ref, *, n_nodes):
    dis = dis_ref[...][:n_nodes]
    s = jnp.sum(part_ref[...], axis=0)[:, :n_nodes] + g_ref[...]
    h = jnp.tanh(dis * s + b_ref[...])
    h_ref[...] = h
    out_ref[...] = lax.dot_general(
        wc_ref[...], h,
        dimension_numbers=(((0,), (0,)), ((), ())),
        preferred_element_type=jnp.float32) + bc_ref[...]


def kernel(x, edge_index, W1, b1, W2, b2, W3, b3, Wc, bc):
    n = x.shape[0]
    e = edge_index.shape[1]
    f32 = jnp.float32
    dtbl = _ceil_to(n, LANES)

    edge_flat = edge_index.reshape(-1)
    degp = _make_deg_kernel(n, dtbl, e)(edge_flat)

    p1t = pl.pallas_call(
        _mm_body,
        out_shape=jax.ShapeDtypeStruct((W1.shape[1], n), f32),
    )(x, W1)

    dis, g1, g1p = pl.pallas_call(
        functools.partial(_dis_body, n_nodes=n),
        out_shape=[jax.ShapeDtypeStruct((dtbl,), f32),
                   jax.ShapeDtypeStruct((W1.shape[1], n), f32),
                   jax.ShapeDtypeStruct((W1.shape[1] // 2, n), jnp.int32)],
    )(degp, p1t)

    def layer(gt, gtp, w_next, b):
        d = gt.shape[0]
        parts = _make_agg_kernel(n, d, dtbl, e)(gtp, edge_flat)
        nd = w_next.shape[1]
        return pl.pallas_call(
            functools.partial(_post_body, n_nodes=n),
            out_shape=[jax.ShapeDtypeStruct((nd, n), f32),
                       jax.ShapeDtypeStruct((nd // 2, n), jnp.int32)],
        )(parts, gt, dis, b.reshape(-1, 1), w_next)

    g2, g2p = layer(g1, g1p, W2, b1)
    g3, g3p = layer(g2, g2p, W3, b2)
    parts3 = _make_agg_kernel(n, g3.shape[0], dtbl, e)(g3p, edge_flat)
    outt, ht = pl.pallas_call(
        functools.partial(_final_body, n_nodes=n),
        out_shape=[jax.ShapeDtypeStruct((Wc.shape[1], n), f32),
                   jax.ShapeDtypeStruct((g3.shape[0], n), f32)],
    )(parts3, g3, dis, b3.reshape(-1, 1), Wc, bc.reshape(-1, 1))
    return (outt.T, ht.T)

# --- scband reference (transcript-rebuilt; emitter-appended) ---
"""Pipeline reference for scband-gcn-examp-19516331393575 (READ-ONLY COPY).

The authoritative reference and input builder live on the scoring server;
editing this copy changes nothing except your own understanding.
"""

import jax, jax.numpy as jnp
import numpy as np

N = 10000
E = 320000
D_IN = 128
NUM_CLASSES = 4


def setup_inputs(seed: int = 0) -> dict:
    key = jax.random.key(seed)
    ks = jax.random.split(key, 12)
    x = jax.random.normal(ks[0], (N, D_IN), dtype=jnp.float32)
    edge_index = jax.random.randint(ks[1], (2, E), 0, N, dtype=jnp.int32)
    W1 = jax.random.normal(ks[2], (D_IN, 4), dtype=jnp.float32) / np.sqrt(D_IN)
    b1 = jnp.zeros((4,), dtype=jnp.float32)
    W2 = jax.random.normal(ks[3], (4, 4), dtype=jnp.float32) / np.sqrt(4.0)
    b2 = jnp.zeros((4,), dtype=jnp.float32)
    W3 = jax.random.normal(ks[4], (4, 2), dtype=jnp.float32) / np.sqrt(4.0)
    b3 = jnp.zeros((2,), dtype=jnp.float32)
    Wc = jax.random.normal(ks[5], (2, NUM_CLASSES), dtype=jnp.float32) / np.sqrt(2.0)
    bc = jnp.zeros((NUM_CLASSES,), dtype=jnp.float32)
    return {"x": x, "edge_index": edge_index, "W1": W1, "b1": b1, "W2": W2, "b2": b2, "W3": W3, "b3": b3, "Wc": Wc, "bc": bc}


def _gcn_conv(x, src, dst, W, b, num_nodes):
    # GCNConv: D^{-1/2} (A + I) D^{-1/2} X W + b (self-loops already appended to src/dst)
    h = x @ W
    ones = jnp.ones(src.shape, dtype=h.dtype)
    deg = jax.ops.segment_sum(ones, dst, num_segments=num_nodes)
    deg_inv_sqrt = jnp.where(deg > 0, jax.lax.rsqrt(jnp.maximum(deg, 1e-12)), 0.0)
    norm = deg_inv_sqrt[src] * deg_inv_sqrt[dst]
    msg = h[src] * norm[:, None]
    out = jax.ops.segment_sum(msg, dst, num_segments=num_nodes)
    return out + b


def reference(x, edge_index, W1, b1, W2, b2, W3, b3, Wc, bc):
    num_nodes = x.shape[0]
    loop = jnp.arange(num_nodes, dtype=edge_index.dtype)
    src = jnp.concatenate([edge_index[0], loop])
    dst = jnp.concatenate([edge_index[1], loop])
    h = jnp.tanh(_gcn_conv(x, src, dst, W1, b1, num_nodes))
    h = jnp.tanh(_gcn_conv(h, src, dst, W2, b2, num_nodes))
    h = jnp.tanh(_gcn_conv(h, src, dst, W3, b3, num_nodes))
    out = h @ Wc + bc
    return (out, h)

if __name__ == "__main__":
    import jax
    _d = setup_inputs()
    print(jax.jit(kernel)(*tuple(_d.values())))

</pallas_src>

<mosaic_0001>
#map = affine_map<(d0, d1) -> (0, 0)>
#map1 = affine_map<(d0, d1) -> (0)>
#map2 = affine_map<(d0, d1) -> (0, 0, 0)>
module attributes {stable_mosaic.version = 14 : i64} {
  func.func @agg_kernel(%arg0: i32, %arg1: i32, %arg2: memref<2x10000xi32, #tpu.memory_space<hbm>>, %arg3: memref<640000xi32, #tpu.memory_space<hbm>>, %arg4: memref<32x4x10000xf32, #tpu.memory_space<hbm>>, %arg5: memref<2x10000xi32, #tpu.memory_space<vmem>>, %arg6: memref<4x10000xf32, #tpu.memory_space<vmem>>, %arg7: memref<10000xi32, #tpu.memory_space<vmem>>, %arg8: memref<10000xi32, #tpu.memory_space<vmem>>, %arg9: memref<!tpu.dma_semaphore, #tpu.memory_space<semaphore_mem>>, %arg10: memref<!tpu.dma_semaphore, #tpu.memory_space<semaphore_mem>>, %arg11: memref<!tpu.dma_semaphore, #tpu.memory_space<semaphore_mem>>) attributes {dimension_semantics = [#tpu.dimension_semantics<core_parallel>, #tpu.dimension_semantics<subcore_parallel>], iteration_bounds = array<i64: 2, 16>, scalar_prefetch = 0 : i64, scratch_operands = 7 : i64, tpu.core_type = #tpu.core_type<sc_vector_subcore>, window_params = [{transform_indices = #map}, {transform_indices = #map1}, {transform_indices = #map2}]} {
    %mul3A = arith.constant 2 : i32
    %mul3A_0 = arith.muli %arg1, %mul3A : i32
    %add3A = arith.addi %mul3A_0, %arg0 : i32
    %mul3A_1 = arith.constant 10000 : i32
    %mul3A_2 = arith.muli %add3A, %mul3A_1 : i32
    %add3A_3 = arith.constant 320000 : i32
    %add3A_4 = arith.addi %add3A_3, %mul3A_2 : i32
    tpu.enqueue_dma source(%arg2 : memref<2x10000xi32, #tpu.memory_space<hbm>>) target(%arg5 : memref<2x10000xi32, #tpu.memory_space<vmem>>) target_semaphore(%arg9 : memref<!tpu.dma_semaphore, #tpu.memory_space<semaphore_mem>>)
    %dma_start3A = tpu.memref_slice %arg3[%mul3A_2] : memref<640000xi32, #tpu.memory_space<hbm>> -> memref<10000xi32, #tpu.memory_space<hbm>>
    %dma_start3A_5 = tpu.memref_slice %arg3[%mul3A_2] : memref<640000xi32, #tpu.memory_space<hbm>> -> memref<10000xi32, #tpu.memory_space<hbm>>
    tpu.enqueue_dma source(%dma_start3A_5 : memref<10000xi32, #tpu.memory_space<hbm>>) target(%arg7 : memref<10000xi32, #tpu.memory_space<vmem>>) target_semaphore(%arg10 : memref<!tpu.dma_semaphore, #tpu.memory_space<semaphore_mem>>)
    %dma_start3A_6 = tpu.memref_slice %arg3[%add3A_4] : memref<640000xi32, #tpu.memory_space<hbm>> -> memref<10000xi32, #tpu.memory_space<hbm>>
    %dma_start3A_7 = tpu.memref_slice %arg3[%add3A_4] : memref<640000xi32, #tpu.memory_space<hbm>> -> memref<10000xi32, #tpu.memory_space<hbm>>
    tpu.enqueue_dma source(%dma_start3A_7 : memref<10000xi32, #tpu.memory_space<hbm>>) target(%arg8 : memref<10000xi32, #tpu.memory_space<vmem>>) target_semaphore(%arg11 : memref<!tpu.dma_semaphore, #tpu.memory_space<semaphore_mem>>)
    %broadcast_in_dim3A = arith.constant 0.000000e+00 : f32
    %broadcast_in_dim3A_8 = vector.broadcast %broadcast_in_dim3A : f32 to vector<16xf32>
    %scan3A = arith.constant 0 : i32
    %scan3A_9 = arith.constant 0 : i32
    %scan3A_10 = arith.constant 624 : i32
    %scan3A_11 = arith.addi %scan3A_9, %scan3A_10 : i32
    %scan3A_12 = arith.constant 2 : i32
    %scan3A_13 = scf.for %scan3A_65 = %scan3A_9 to %scan3A_11 step %scan3A_12 iter_args(%scan3A_66 = %scan3A) -> (i32)  : i32 {
      %mul3A_67 = arith.constant 16 : i32
      %mul3A_68 = arith.muli %scan3A_65, %mul3A_67 : i32
      %swap3A_69 = arith.constant 0 : i32
      %swap3A_70 = arith.index_cast %swap3A_69 : i32 to index
      %swap3A_71 = arith.index_cast %mul3A_68 : i32 to index
      %swap3A_72 = tpu.vector_load %arg6[%swap3A_70, %swap3A_71] {strides = array<i32>} : memref<4x10000xf32, #tpu.memory_space<vmem>>, vector<16xf32>,
      tpu.vector_store %arg6[%swap3A_70, %swap3A_71], %broadcast_in_dim3A_8 {strides = array<i32>} : memref<4x10000xf32, #tpu.memory_space<vmem>>, vector<16xf32>,
      %mul3A_73 = arith.constant 16 : i32
      %mul3A_74 = arith.muli %scan3A_65, %mul3A_73 : i32
      %swap3A_75 = arith.constant 1 : i32
      %swap3A_76 = arith.index_cast %swap3A_75 : i32 to index
      %swap3A_77 = arith.index_cast %mul3A_74 : i32 to index
      %swap3A_78 = tpu.vector_load %arg6[%swap3A_76, %swap3A_77] {strides = array<i32>} : memref<4x10000xf32, #tpu.memory_space<vmem>>, vector<16xf32>,
      tpu.vector_store %arg6[%swap3A_76, %swap3A_77], %broadcast_in_dim3A_8 {strides = array<i32>} : memref<4x10000xf32, #tpu.memory_space<vmem>>, vector<16xf32>,
      %mul3A_79 = arith.constant 16 : i32
      %mul3A_80 = arith.muli %scan3A_65, %mul3A_79 : i32
      %swap3A_81 = arith.constant 2 : i32
      %swap3A_82 = arith.index_cast %swap3A_81 : i32 to index
      %swap3A_83 = arith.index_cast %mul3A_80 : i32 to index
      %swap3A_84 = tpu.vector_load %arg6[%swap3A_82, %swap3A_83] {strides = array<i32>} : memref<4x10000xf32, #tpu.memory_space<vmem>>, vector<16xf32>,
      tpu.vector_store %arg6[%swap3A_82, %swap3A_83], %broadcast_in_dim3A_8 {strides = array<i32>} : memref<4x10000xf32, #tpu.memory_space<vmem>>, vector<16xf32>,
      %mul3A_85 = arith.constant 16 : i32
      %mul3A_86 = arith.muli %scan3A_65, %mul3A_85 : i32
      %swap3A_87 = arith.constant 3 : i32
      %swap3A_88 = arith.index_cast %swap3A_87 : i32 to index
      %swap3A_89 = arith.index_cast %mul3A_86 : i32 to index
      %swap3A_90 = tpu.vector_load %arg6[%swap3A_88, %swap3A_89] {strides = array<i32>} : memref<4x10000xf32, #tpu.memory_space<vmem>>, vector<16xf32>,
      tpu.vector_store %arg6[%swap3A_88, %swap3A_89], %broadcast_in_dim3A_8 {strides = array<i32>} : memref<4x10000xf32, #tpu.memory_space<vmem>>, vector<16xf32>,
      %scan3A_91 = arith.constant 0 : i32
      %scan3A_92 = arith.constant 1 : i32
      %scan3A_93 = arith.addi %scan3A_65, %scan3A_92 : i32
      %mul3A_94 = arith.constant 16 : i32
      %mul3A_95 = arith.muli %scan3A_93, %mul3A_94 : i32
      %swap3A_96 = arith.constant 0 : i32
      %swap3A_97 = arith.index_cast %swap3A_96 : i32 to index
      %swap3A_98 = arith.index_cast %mul3A_95 : i32 to index
      %swap3A_99 = tpu.vector_load %arg6[%swap3A_97, %swap3A_98] {strides = array<i32>} : memref<4x10000xf32, #tpu.memory_space<vmem>>, vector<16xf32>,
      tpu.vector_store %arg6[%swap3A_97, %swap3A_98], %broadcast_in_dim3A_8 {strides = array<i32>} : memref<4x10000xf32, #tpu.memory_space<vmem>>, vector<16xf32>,
      %mul3A_100 = arith.constant 16 : i32
      %mul3A_101 = arith.muli %scan3A_93, %mul3A_100 : i32
      %swap3A_102 = arith.constant 1 : i32
      %swap3A_103 = arith.index_cast %swap3A_102 : i32 to index
      %swap3A_104 = arith.index_cast %mul3A_101 : i32 to index
      %swap3A_105 = tpu.vector_load %arg6[%swap3A_103, %swap3A_104] {strides = array<i32>} : memref<4x10000xf32, #tpu.memory_space<vmem>>, vector<16xf32>,
      tpu.vector_store %arg6[%swap3A_103, %swap3A_104], %broadcast_in_dim3A_8 {strides = array<i32>} : memref<4x10000xf32, #tpu.memory_space<vmem>>, vector<16xf32>,
      %mul3A_106 = arith.constant 16 : i32
      %mul3A_107 = arith.muli %scan3A_93, %mul3A_106 : i32
      %swap3A_108 = arith.constant 2 : i32
      %swap3A_109 = arith.index_cast %swap3A_108 : i32 to index
      %swap3A_110 = arith.index_cast %mul3A_107 : i32 to index
      %swap3A_111 = tpu.vector_load %arg6[%swap3A_109, %swap3A_110] {strides = array<i32>} : memref<4x10000xf32, #tpu.memory_space<vmem>>, vector<16xf32>,
      tpu.vector_store %arg6[%swap3A_109, %swap3A_110], %broadcast_in_dim3A_8 {strides = array<i32>} : memref<4x10000xf32, #tpu.memory_space<vmem>>, vector<16xf32>,
      %mul3A_112 = arith.constant 16 : i32
      %mul3A_113 = arith.muli %scan3A_93, %mul3A_112 : i32
      %swap3A_114 = arith.constant 3 : i32
      %swap3A_115 = arith.index_cast %swap3A_114 : i32 to index
      %swap3A_116 = arith.index_cast %mul3A_113 : i32 to index
      %swap3A_117 = tpu.vector_load %arg6[%swap3A_115, %swap3A_116] {strides = array<i32>} : memref<4x10000xf32, #tpu.memory_space<vmem>>, vector<16xf32>,
      tpu.vector_store %arg6[%swap3A_115, %swap3A_116], %broadcast_in_dim3A_8 {strides = array<i32>} : memref<4x10000xf32, #tpu.memory_space<vmem>>, vector<16xf32>,
      %scan3A_118 = arith.constant 0 : i32
      scf.yield %scan3A_118 : i32
    }
    %scan3A_14 = arith.constant 624 : i32
    %scan3A_15 = arith.addi %scan3A_9, %scan3A_14 : i32
    %mul3A_16 = arith.constant 16 : i32
    %mul3A_17 = arith.muli %scan3A_15, %mul3A_16 : i32
    %swap3A = arith.constant 0 : i32
    %swap3A_18 = arith.index_cast %swap3A : i32 to index
    %swap3A_19 = arith.index_cast %mul3A_17 : i32 to index
    %swap3A_20 = tpu.vector_load %arg6[%swap3A_18, %swap3A_19] {strides = array<i32>} : memref<4x10000xf32, #tpu.memory_space<vmem>>, vector<16xf32>,
    tpu.vector_store %arg6[%swap3A_18, %swap3A_19], %broadcast_in_dim3A_8 {strides = array<i32>} : memref<4x10000xf32, #tpu.memory_space<vmem>>, vector<16xf32>,
    %mul3A_21 = arith.constant 16 : i32
    %mul3A_22 = arith.muli %scan3A_15, %mul3A_21 : i32
    %swap3A_23 = arith.constant 1 : i32
    %swap3A_24 = arith.index_cast %swap3A_23 : i32 to index
    %swap3A_25 = arith.index_cast %mul3A_22 : i32 to index
    %swap3A_26 = tpu.vector_load %arg6[%swap3A_24, %swap3A_25] {strides = array<i32>} : memref<4x10000xf32, #tpu.memory_space<vmem>>, vector<16xf32>,
    tpu.vector_store %arg6[%swap3A_24, %swap3A_25], %broadcast_in_dim3A_8 {strides = array<i32>} : memref<4x10000xf32, #tpu.memory_space<vmem>>, vector<16xf32>,
    %mul3A_27 = arith.constant 16 : i32
    %mul3A_28 = arith.muli %scan3A_15, %mul3A_27 : i32
    %swap3A_29 = arith.constant 2 : i32
    %swap3A_30 = arith.index_cast %swap3A_29 : i32 to index
    %swap3A_31 = arith.index_cast %mul3A_28 : i32 to index
    %swap3A_32 = tpu.vector_load %arg6[%swap3A_30, %swap3A_31] {strides = array<i32>} : memref<4x10000xf32, #tpu.memory_space<vmem>>, vector<16xf32>,
    tpu.vector_store %arg6[%swap3A_30, %swap3A_31], %broadcast_in_dim3A_8 {strides = array<i32>} : memref<4x10000xf32, #tpu.memory_space<vmem>>, vector<16xf32>,
    %mul3A_33 = arith.constant 16 : i32
    %mul3A_34 = arith.muli %scan3A_15, %mul3A_33 : i32
    %swap3A_35 = arith.constant 3 : i32
    %swap3A_36 = arith.index_cast %swap3A_35 : i32 to index
    %swap3A_37 = arith.index_cast %mul3A_34 : i32 to index
    %swap3A_38 = tpu.vector_load %arg6[%swap3A_36, %swap3A_37] {strides = array<i32>} : memref<4x10000xf32, #tpu.memory_space<vmem>>, vector<16xf32>,
    tpu.vector_store %arg6[%swap3A_36, %swap3A_37], %broadcast_in_dim3A_8 {strides = array<i32>} : memref<4x10000xf32, #tpu.memory_space<vmem>>, vector<16xf32>,
    %scan3A_39 = arith.constant 0 : i32
    %scan3A_40 = arith.constant 625 : i32
    tpu.wait_dma2 semaphore(%arg9 : memref<!tpu.dma_semaphore, #tpu.memory_space<semaphore_mem>>) src(%arg2 : memref<2x10000xi32, #tpu.memory_space<hbm>>) dst(%arg5 : memref<2x10000xi32, #tpu.memory_space<vmem>>)
    %dma_wait3A = tpu.memref_slice %arg3[%mul3A_2] : memref<640000xi32, #tpu.memory_space<hbm>> -> memref<10000xi32, #tpu.memory_space<hbm>>
    %dma_wait3A_41 = tpu.memref_slice %arg3[%mul3A_2] : memref<640000xi32, #tpu.memory_space<hbm>> -> memref<10000xi32, #tpu.memory_space<hbm>>
    tpu.wait_dma2 semaphore(%arg10 : memref<!tpu.dma_semaphore, #tpu.memory_space<semaphore_mem>>) src(%dma_wait3A_41 : memref<10000xi32, #tpu.memory_space<hbm>>) dst(%arg7 : memref<10000xi32, #tpu.memory_space<vmem>>)
    %dma_wait3A_42 = tpu.memref_slice %arg3[%add3A_4] : memref<640000xi32, #tpu.memory_space<hbm>> -> memref<10000xi32, #tpu.memory_space<hbm>>
    %dma_wait3A_43 = tpu.memref_slice %arg3[%add3A_4] : memref<640000xi32, #tpu.memory_space<hbm>> -> memref<10000xi32, #tpu.memory_space<hbm>>
    tpu.wait_dma2 semaphore(%arg11 : memref<!tpu.dma_semaphore, #tpu.memory_space<semaphore_mem>>) src(%dma_wait3A_43 : memref<10000xi32, #tpu.memory_space<hbm>>) dst(%arg8 : memref<10000xi32, #tpu.memory_space<vmem>>)
    %broadcast_in_dim3A_44 = arith.constant 0 : i32
    %broadcast_in_dim3A_45 = vector.broadcast %broadcast_in_dim3A_44 : i32 to vector<16xi32>
    %broadcast_in_dim3A_46 = arith.constant 1 : i32
    %broadcast_in_dim3A_47 = vector.broadcast %broadcast_in_dim3A_46 : i32 to vector<16xi32>
    %broadcast_in_dim3A_48 = arith.constant 0 : i32
    %broadcast_in_dim3A_49 = vector.broadcast %broadcast_in_dim3A_48 : i32 to vector<16xi32>
    %broadcast_in_dim3A_50 = arith.constant 1 : i32
    %broadcast_in_dim3A_51 = vector.broadcast %broadcast_in_dim3A_50 : i32 to vector<16xi32>
    %broadcast_in_dim3A_52 = arith.constant 2 : i32
    %broadcast_in_dim3A_53 = vector.broadcast %broadcast_in_dim3A_52 : i32 to vector<16xi32>
    %broadcast_in_dim3A_54 = arith.constant 3 : i32
    %broadcast_in_dim3A_55 = vector.broadcast %broadcast_in_dim3A_54 : i32 to vector<16xi32>
    %broadcast_in_dim3A_56 = arith.constant -65536 : i32
    %broadcast_in_dim3A_57 = vector.broadcast %broadcast_in_dim3A_56 : i32 to vector<16xi32>
    %scan3A_58 = arith.constant 0 : i32
    %scan3A_59 = arith.constant 0 : i32
    %scan3A_60 = arith.constant 125 : i32
    %scan3A_61 = arith.addi %scan3A_59, %scan3A_60 : i32
    %scan3A_62 = arith.constant 1 : i32
    %scan3A_63 = scf.for %scan3A_65 = %scan3A_59 to %scan3A_61 step %scan3A_62 iter_args(%scan3A_66 = %scan3A_58) -> (i32)  : i32 {
      %mul3A_67 = arith.constant 5 : i32
      %mul3A_68 = arith.muli %scan3A_65, %mul3A_67 : i32
      %add3A_69 = arith.constant 0 : i32
      %add3A_70 = arith.addi %mul3A_68, %add3A_69 : i32
      %mul3A_71 = arith.constant 16 : i32
      %mul3A_72 = arith.muli %add3A_70, %mul3A_71 : i32
      %get3A = arith.index_cast %mul3A_72 : i32 to index
      %get3A_73 = tpu.vector_load %arg7[%get3A] {strides = array<i32>} : memref<10000xi32, #tpu.memory_space<vmem>>, vector<16xi32>,
      %get3A_74 = arith.index_cast %mul3A_72 : i32 to index
      %get3A_75 = tpu.vector_load %arg8[%get3A_74] {strides = array<i32>} : memref<10000xi32, #tpu.memory_space<vmem>>, vector<16xi32>,
      %gather3A = tpu.vector_load_idx %arg5[%broadcast_in_dim3A_45, %get3A_73] : memref<2x10000xi32, #tpu.memory_space<vmem>>[vector<16xi32>, vector<16xi32>], vector<16xi32>,
      %shift_left3A = arith.constant 16 : i32
      %shift_left3A_76 = vector.broadcast %shift_left3A : i32 to vector<16xi32>
      %shift_left3A_77 = arith.shli %gather3A, %shift_left3A_76 : vector<16xi32>
      %bitcast3A = vector.bitcast %shift_left3A_77 : vector<16xi32> to vector<16xf32>
      %and3A = arith.andi %gather3A, %broadcast_in_dim3A_57 : vector<16xi32>
      %bitcast3A_78 = vector.bitcast %and3A : vector<16xi32> to vector<16xf32>
      tpu.vector_store_idx %arg6[%broadcast_in_dim3A_49, %get3A_75], %bitcast3A {add = true} : memref<4x10000xf32, #tpu.memory_space<vmem>>[vector<16xi32>, vector<16xi32>], vector<16xf32>,
      tpu.vector_store_idx %arg6[%broadcast_in_dim3A_51, %get3A_75], %bitcast3A_78 {add = true} : memref<4x10000xf32, #tpu.memory_space<vmem>>[vector<16xi32>, vector<16xi32>], vector<16xf32>,
      %gather3A_79 = tpu.vector_load_idx %arg5[%broadcast_in_dim3A_47, %get3A_73] : memref<2x10000xi32, #tpu.memory_space<vmem>>[vector<16xi32>, vector<16xi32>], vector<16xi32>,
      %shift_left3A_80 = arith.constant 16 : i32
      %shift_left3A_81 = vector.broadcast %shift_left3A_80 : i32 to vector<16xi32>
      %shift_left3A_82 = arith.shli %gather3A_79, %shift_left3A_81 : vector<16xi32>
      %bitcast3A_83 = vector.bitcast %shift_left3A_82 : vector<16xi32> to vector<16xf32>
      %and3A_84 = arith.andi %gather3A_79, %broadcast_in_dim3A_57 : vector<16xi32>
      %bitcast3A_85 = vector.bitcast %and3A_84 : vector<16xi32> to vector<16xf32>
      tpu.vector_store_idx %arg6[%broadcast_in_dim3A_53, %get3A_75], %bitcast3A_83 {add = true} : memref<4x10000xf32, #tpu.memory_space<vmem>>[vector<16xi32>, vector<16xi32>], vector<16xf32>,
      tpu.vector_store_idx %arg6[%broadcast_in_dim3A_55, %get3A_75], %bitcast3A_85 {add = true} : memref<4x10000xf32, #tpu.memory_space<vmem>>[vector<16xi32>, vector<16xi32>], vector<16xf32>,
      %mul3A_86 = arith.constant 5 : i32
      %mul3A_87 = arith.muli %scan3A_65, %mul3A_86 : i32
      %add3A_88 = arith.constant 1 : i32
      %add3A_89 = arith.addi %mul3A_87, %add3A_88 : i32
      %mul3A_90 = arith.constant 16 : i32
      %mul3A_91 = arith.muli %add3A_89, %mul3A_90 : i32
      %get3A_92 = arith.index_cast %mul3A_91 : i32 to index
      %get3A_93 = tpu.vector_load %arg7[%get3A_92] {strides = array<i32>} : memref<10000xi32, #tpu.memory_space<vmem>>, vector<16xi32>,
      %get3A_94 = arith.index_cast %mul3A_91 : i32 to index
      %get3A_95 = tpu.vector_load %arg8[%get3A_94] {strides = array<i32>} : memref<10000xi32, #tpu.memory_space<vmem>>, vector<16xi32>,
      %gather3A_96 = tpu.vector_load_idx %arg5[%broadcast_in_dim3A_45, %get3A_93] : memref<2x10000xi32, #tpu.memory_space<vmem>>[vector<16xi32>, vector<16xi32>], vector<16xi32>,
      %shift_left3A_97 = arith.constant 16 : i32
      %shift_left3A_98 = vector.broadcast %shift_left3A_97 : i32 to vector<16xi32>
      %shift_left3A_99 = arith.shli %gather3A_96, %shift_left3A_98 : vector<16xi32>
      %bitcast3A_100 = vector.bitcast %shift_left3A_99 : vector<16xi32> to vector<16xf32>
      %and3A_101 = arith.andi %gather3A_96, %broadcast_in_dim3A_57 : vector<16xi32>
      %bitcast3A_102 = vector.bitcast %and3A_101 : vector<16xi32> to vector<16xf32>
      tpu.vector_store_idx %arg6[%broadcast_in_dim3A_49, %get3A_95], %bitcast3A_100 {add = true} : memref<4x10000xf32, #tpu.memory_space<vmem>>[vector<16xi32>, vector<16xi32>], vector<16xf32>,
      tpu.vector_store_idx %arg6[%broadcast_in_dim3A_51, %get3A_95], %bitcast3A_102 {add = true} : memref<4x10000xf32, #tpu.memory_space<vmem>>[vector<16xi32>, vector<16xi32>], vector<16xf32>,
      %gather3A_103 = tpu.vector_load_idx %arg5[%broadcast_in_dim3A_47, %get3A_93] : memref<2x10000xi32, #tpu.memory_space<vmem>>[vector<16xi32>, vector<16xi32>], vector<16xi32>,
      %shift_left3A_104 = arith.constant 16 : i32
      %shift_left3A_105 = vector.broadcast %shift_left3A_104 : i32 to vector<16xi32>
      %shift_left3A_106 = arith.shli %gather3A_103, %shift_left3A_105 : vector<16xi32>
      %bitcast3A_107 = vector.bitcast %shift_left3A_106 : vector<16xi32> to vector<16xf32>
      %and3A_108 = arith.andi %gather3A_103, %broadcast_in_dim3A_57 : vector<16xi32>
      %bitcast3A_109 = vector.bitcast %and3A_108 : vector<16xi32> to vector<16xf32>
      tpu.vector_store_idx %arg6[%broadcast_in_dim3A_53, %get3A_95], %bitcast3A_107 {add = true} : memref<4x10000xf32, #tpu.memory_space<vmem>>[vector<16xi32>, vector<16xi32>], vector<16xf32>,
      tpu.vector_store_idx %arg6[%broadcast_in_dim3A_55, %get3A_95], %bitcast3A_109 {add = true} : memref<4x10000xf32, #tpu.memory_space<vmem>>[vector<16xi32>, vector<16xi32>], vector<16xf32>,
      %mul3A_110 = arith.constant 5 : i32
      %mul3A_111 = arith.muli %scan3A_65, %mul3A_110 : i32
      %add3A_112 = arith.constant 2 : i32
      %add3A_113 = arith.addi %mul3A_111, %add3A_112 : i32
      %mul3A_114 = arith.constant 16 : i32
      %mul3A_115 = arith.muli %add3A_113, %mul3A_114 : i32
      %get3A_116 = arith.index_cast %mul3A_115 : i32 to index
      %get3A_117 = tpu.vector_load %arg7[%get3A_116] {strides = array<i32>} : memref<10000xi32, #tpu.memory_space<vmem>>, vector<16xi32>,
      %get3A_118 = arith.index_cast %mul3A_115 : i32 to index
      %get3A_119 = tpu.vector_load %arg8[%get3A_118] {strides = array<i32>} : memref<10000xi32, #tpu.memory_space<vmem>>, vector<16xi32>,
      %gather3A_120 = tpu.vector_load_idx %arg5[%broadcast_in_dim3A_45, %get3A_117] : memref<2x10000xi32, #tpu.memory_space<vmem>>[vector<16xi32>, vector<16xi32>], vector<16xi32>,
      %shift_left3A_121 = arith.constant 16 : i32
      %shift_left3A_122 = vector.broadcast %shift_left3A_121 : i32 to vector<16xi32>
      %shift_left3A_123 = arith.shli %gather3A_120, %shift_left3A_122 : vector<16xi32>
      %bitcast3A_124 = vector.bitcast %shift_left3A_123 : vector<16xi32> to vector<16xf32>
      %and3A_125 = arith.andi %gather3A_120, %broadcast_in_dim3A_57 : vector<16xi32>
      %bitcast3A_126 = vector.bitcast %and3A_125 : vector<16xi32> to vector<16xf32>
      tpu.vector_store_idx %arg6[%broadcast_in_dim3A_49, %get3A_119], %bitcast3A_124 {add = true} : memref<4x10000xf32, #tpu.memory_space<vmem>>[vector<16xi32>, vector<16xi32>], vector<16xf32>,
      tpu.vector_store_idx %arg6[%broadcast_in_dim3A_51, %get3A_119], %bitcast3A_126 {add = true} : memref<4x10000xf32, #tpu.memory_space<vmem>>[vector<16xi32>, vector<16xi32>], vector<16xf32>,
      %gather3A_127 = tpu.vector_load_idx %arg5[%broadcast_in_dim3A_47, %get3A_117] : memref<2x10000xi32, #tpu.memory_space<vmem>>[vector<16xi32>, vector<16xi32>], vector<16xi32>,
      %shift_left3A_128 = arith.constant 16 : i32
      %shift_left3A_129 = vector.broadcast %shift_left3A_128 : i32 to vector<16xi32>
      %shift_left3A_130 = arith.shli %gather3A_127, %shift_left3A_129 : vector<16xi32>
      %bitcast3A_131 = vector.bitcast %shift_left3A_130 : vector<16xi32> to vector<16xf32>
      %and3A_132 = arith.andi %gather3A_127, %broadcast_in_dim3A_57 : vector<16xi32>
      %bitcast3A_133 = vector.bitcast %and3A_132 : vector<16xi32> to vector<16xf32>
      tpu.vector_store_idx %arg6[%broadcast_in_dim3A_53, %get3A_119], %bitcast3A_131 {add = true} : memref<4x10000xf32, #tpu.memory_space<vmem>>[vector<16xi32>, vector<16xi32>], vector<16xf32>,
      tpu.vector_store_idx %arg6[%broadcast_in_dim3A_55, %get3A_119], %bitcast3A_133 {add = true} : memref<4x10000xf32, #tpu.memory_space<vmem>>[vector<16xi32>, vector<16xi32>], vector<16xf32>,
      %mul3A_134 = arith.constant 5 : i32
      %mul3A_135 = arith.muli %scan3A_65, %mul3A_134 : i32
      %add3A_136 = arith.constant 3 : i32
      %add3A_137 = arith.addi %mul3A_135, %add3A_136 : i32
      %mul3A_138 = arith.constant 16 : i32
      %mul3A_139 = arith.muli %add3A_137, %mul3A_138 : i32
      %get3A_140 = arith.index_cast %mul3A_139 : i32 to index
      %get3A_141 = tpu.vector_load %arg7[%get3A_140] {strides = array<i32>} : memref<10000xi32, #tpu.memory_space<vmem>>, vector<16xi32>,
      %get3A_142 = arith.index_cast %mul3A_139 : i32 to index
      %get3A_143 = tpu.vector_load %arg8[%get3A_142] {strides = array<i32>} : memref<10000xi32, #tpu.memory_space<vmem>>, vector<16xi32>,
      %gather3A_144 = tpu.vector_load_idx %arg5[%broadcast_in_dim3A_45, %get3A_141] : memref<2x10000xi32, #tpu.memory_space<vmem>>[vector<16xi32>, vector<16xi32>], vector<16xi32>,
      %shift_left3A_145 = arith.constant 16 : i32
      %shift_left3A_146 = vector.broadcast %shift_left3A_145 : i32 to vector<16xi32>
      %shift_left3A_147 = arith.shli %gather3A_144, %shift_left3A_146 : vector<16xi32>
      %bitcast3A_148 = vector.bitcast %shift_left3A_147 : vector<16xi32> to vector<16xf32>
      %and3A_149 = arith.andi %gather3A_144, %broadcast_in_dim3A_57 : vector<16xi32>
      %bitcast3A_150 = vector.bitcast %and3A_149 : vector<16xi32> to vector<16xf32>
      tpu.vector_store_idx %arg6[%broadcast_in_dim3A_49, %get3A_143], %bitcast3A_148 {add = true} : memref<4x10000xf32, #tpu.memory_space<vmem>>[vector<16xi32>, vector<16xi32>], vector<16xf32>,
      tpu.vector_store_idx %arg6[%broadcast_in_dim3A_51, %get3A_143], %bitcast3A_150 {add = true} : memref<4x10000xf32, #tpu.memory_space<vmem>>[vector<16xi32>, vector<16xi32>], vector<16xf32>,
      %gather3A_151 = tpu.vector_load_idx %arg5[%broadcast_in_dim3A_47, %get3A_141] : memref<2x10000xi32, #tpu.memory_space<vmem>>[vector<16xi32>, vector<16xi32>], vector<16xi32>,
      %shift_left3A_152 = arith.constant 16 : i32
      %shift_left3A_153 = vector.broadcast %shift_left3A_152 : i32 to vector<16xi32>
      %shift_left3A_154 = arith.shli %gather3A_151, %shift_left3A_153 : vector<16xi32>
      %bitcast3A_155 = vector.bitcast %shift_left3A_154 : vector<16xi32> to vector<16xf32>
      %and3A_156 = arith.andi %gather3A_151, %broadcast_in_dim3A_57 : vector<16xi32>
      %bitcast3A_157 = vector.bitcast %and3A_156 : vector<16xi32> to vector<16xf32>
      tpu.vector_store_idx %arg6[%broadcast_in_dim3A_53, %get3A_143], %bitcast3A_155 {add = true} : memref<4x10000xf32, #tpu.memory_space<vmem>>[vector<16xi32>, vector<16xi32>], vector<16xf32>,
      tpu.vector_store_idx %arg6[%broadcast_in_dim3A_55, %get3A_143], %bitcast3A_157 {add = true} : memref<4x10000xf32, #tpu.memory_space<vmem>>[vector<16xi32>, vector<16xi32>], vector<16xf32>,
      %mul3A_158 = arith.constant 5 : i32
      %mul3A_159 = arith.muli %scan3A_65, %mul3A_158 : i32
      %add3A_160 = arith.constant 4 : i32
      %add3A_161 = arith.addi %mul3A_159, %add3A_160 : i32
      %mul3A_162 = arith.constant 16 : i32
      %mul3A_163 = arith.muli %add3A_161, %mul3A_162 : i32
      %get3A_164 = arith.index_cast %mul3A_163 : i32 to index
      %get3A_165 = tpu.vector_load %arg7[%get3A_164] {strides = array<i32>} : memref<10000xi32, #tpu.memory_space<vmem>>, vector<16xi32>,
      %get3A_166 = arith.index_cast %mul3A_163 : i32 to index
      %get3A_167 = tpu.vector_load %arg8[%get3A_166] {strides = array<i32>} : memref<10000xi32, #tpu.memory_space<vmem>>, vector<16xi32>,
      %gather3A_168 = tpu.vector_load_idx %arg5[%broadcast_in_dim3A_45, %get3A_165] : memref<2x10000xi32, #tpu.memory_space<vmem>>[vector<16xi32>, vector<16xi32>], vector<16xi32>,
      %shift_left3A_169 = arith.constant 16 : i32
      %shift_left3A_170 = vector.broadcast %shift_left3A_169 : i32 to vector<16xi32>
      %shift_left3A_171 = arith.shli %gather3A_168, %shift_left3A_170 : vector<16xi32>
      %bitcast3A_172 = vector.bitcast %shift_left3A_171 : vector<16xi32> to vector<16xf32>
      %and3A_173 = arith.andi %gather3A_168, %broadcast_in_dim3A_57 : vector<16xi32>
      %bitcast3A_174 = vector.bitcast %and3A_173 : vector<16xi32> to vector<16xf32>
      tpu.vector_store_idx %arg6[%broadcast_in_dim3A_49, %get3A_167], %bitcast3A_172 {add = true} : memref<4x10000xf32, #tpu.memory_space<vmem>>[vector<16xi32>, vector<16xi32>], vector<16xf32>,
      tpu.vector_store_idx %arg6[%broadcast_in_dim3A_51, %get3A_167], %bitcast3A_174 {add = true} : memref<4x10000xf32, #tpu.memory_space<vmem>>[vector<16xi32>, vector<16xi32>], vector<16xf32>,
      %gather3A_175 = tpu.vector_load_idx %arg5[%broadcast_in_dim3A_47, %get3A_165] : memref<2x10000xi32, #tpu.memory_space<vmem>>[vector<16xi32>, vector<16xi32>], vector<16xi32>,
      %shift_left3A_176 = arith.constant 16 : i32
      %shift_left3A_177 = vector.broadcast %shift_left3A_176 : i32 to vector<16xi32>
      %shift_left3A_178 = arith.shli %gather3A_175, %shift_left3A_177 : vector<16xi32>
      %bitcast3A_179 = vector.bitcast %shift_left3A_178 : vector<16xi32> to vector<16xf32>
      %and3A_180 = arith.andi %gather3A_175, %broadcast_in_dim3A_57 : vector<16xi32>
      %bitcast3A_181 = vector.bitcast %and3A_180 : vector<16xi32> to vector<16xf32>
      tpu.vector_store_idx %arg6[%broadcast_in_dim3A_53, %get3A_167], %bitcast3A_179 {add = true} : memref<4x10000xf32, #tpu.memory_space<vmem>>[vector<16xi32>, vector<16xi32>], vector<16xf32>,
      tpu.vector_store_idx %arg6[%broadcast_in_dim3A_55, %get3A_167], %bitcast3A_181 {add = true} : memref<4x10000xf32, #tpu.memory_space<vmem>>[vector<16xi32>, vector<16xi32>], vector<16xf32>,
      %scan3A_182 = arith.constant 0 : i32
      scf.yield %scan3A_182 : i32
    }
    %scan3A_64 = arith.constant 125 : i32
    "tpu.region"() ({
      %run_scoped3A = tpu.sem_alloc : memref<!tpu.dma_semaphore, #tpu.memory_space<semaphore_mem>>
      %dma_start3A_65 = arith.constant 0 : i32
      %dma_start3A_66 = arith.constant 0 : i32
      %dma_start3A_67 = tpu.memref_slice %arg4[%add3A, %dma_start3A_65, %dma_start3A_66] : memref<32x4x10000xf32, #tpu.memory_space<hbm>> -> memref<1x4x10000xf32, #tpu.memory_space<hbm>>
      %dma_start3A_68 = tpu.memref_squeeze %dma_start3A_67 : memref<1x4x10000xf32, #tpu.memory_space<hbm>> -> memref<4x10000xf32, #tpu.memory_space<hbm>>
      %dma_start3A_69 = arith.constant 0 : i32
      %dma_start3A_70 = arith.constant 0 : i32
      %dma_start3A_71 = tpu.memref_slice %arg4[%add3A, %dma_start3A_69, %dma_start3A_70] : memref<32x4x10000xf32, #tpu.memory_space<hbm>> -> memref<1x4x10000xf32, #tpu.memory_space<hbm>>
      %dma_start3A_72 = tpu.memref_squeeze %dma_start3A_71 : memref<1x4x10000xf32, #tpu.memory_space<hbm>> -> memref<4x10000xf32, #tpu.memory_space<hbm>>
      tpu.enqueue_dma source(%arg6 : memref<4x10000xf32, #tpu.memory_space<vmem>>) target(%dma_start3A_72 : memref<4x10000xf32, #tpu.memory_space<hbm>>) target_semaphore(%run_scoped3A : memref<!tpu.dma_semaphore, #tpu.memory_space<semaphore_mem>>)
      %dma_wait3A_73 = arith.constant 0 : i32
      %dma_wait3A_74 = arith.constant 0 : i32
      %dma_wait3A_75 = tpu.memref_slice %arg4[%add3A, %dma_wait3A_73, %dma_wait3A_74] : memref<32x4x10000xf32, #tpu.memory_space<hbm>> -> memref<1x4x10000xf32, #tpu.memory_space<hbm>>
      %dma_wait3A_76 = tpu.memref_squeeze %dma_wait3A_75 : memref<1x4x10000xf32, #tpu.memory_space<hbm>> -> memref<4x10000xf32, #tpu.memory_space<hbm>>
      %dma_wait3A_77 = arith.constant 0 : i32
      %dma_wait3A_78 = arith.constant 0 : i32
      %dma_wait3A_79 = tpu.memref_slice %arg4[%add3A, %dma_wait3A_77, %dma_wait3A_78] : memref<32x4x10000xf32, #tpu.memory_space<hbm>> -> memref<1x4x10000xf32, #tpu.memory_space<hbm>>
      %dma_wait3A_80 = tpu.memref_squeeze %dma_wait3A_79 : memref<1x4x10000xf32, #tpu.memory_space<hbm>> -> memref<4x10000xf32, #tpu.memory_space<hbm>>
      tpu.wait_dma2 semaphore(%run_scoped3A : memref<!tpu.dma_semaphore, #tpu.memory_space<semaphore_mem>>) src(%arg6 : memref<4x10000xf32, #tpu.memory_space<vmem>>) dst(%dma_wait3A_80 : memref<4x10000xf32, #tpu.memory_space<hbm>>)
      tpu.yield
    }) : () -> ()
    return
  }
}

#map = affine_map<(d0, d1) -> (0, 0)>
#map1 = affine_map<(d0, d1) -> (0)>
#map2 = affine_map<(d0, d1) -> (0, 0, 0)>
module attributes {stable_mosaic.version = 14 : i64} {
  func.func @agg_kernel(%arg0: i32, %arg1: i32, %arg2: memref<2x10000xi32, #tpu.memory_space<hbm>>, %arg3: memref<640000xi32, #tpu.memory_space<hbm>>, %arg4: memref<32x4x10000xf32, #tpu.memory_space<hbm>>, %arg5: memref<2x10000xi32, #tpu.memory_space<vmem>>, %arg6: memref<4x10000xf32, #tpu.memory_space<vmem>>, %arg7: memref<10000xi32, #tpu.memory_space<vmem>>, %arg8: memref<10000xi32, #tpu.memory_space<vmem>>, %arg9: memref<!tpu.dma_semaphore, #tpu.memory_space<semaphore_mem>>, %arg10: memref<!tpu.dma_semaphore, #tpu.memory_space<semaphore_mem>>, %arg11: memref<!tpu.dma_semaphore, #tpu.memory_space<semaphore_mem>>) attributes {dimension_semantics = [#tpu.dimension_semantics<core_parallel>, #tpu.dimension_semantics<subcore_parallel>], iteration_bounds = array<i64: 2, 16>, scalar_prefetch = 0 : i64, scratch_operands = 7 : i64, tpu.core_type = #tpu.core_type<sc_vector_subcore>, window_params = [{transform_indices = #map}, {transform_indices = #map1}, {transform_indices = #map2}]} {
    %mul3A = arith.constant 2 : i32
    %mul3A_0 = arith.muli %arg1, %mul3A : i32
    %add3A = arith.addi %mul3A_0, %arg0 : i32
    %mul3A_1 = arith.constant 10000 : i32
    %mul3A_2 = arith.muli %add3A, %mul3A_1 : i32
    %add3A_3 = arith.constant 320000 : i32
    %add3A_4 = arith.addi %add3A_3, %mul3A_2 : i32
    tpu.enqueue_dma source(%arg2 : memref<2x10000xi32, #tpu.memory_space<hbm>>) target(%arg5 : memref<2x10000xi32, #tpu.memory_space<vmem>>) target_semaphore(%arg9 : memref<!tpu.dma_semaphore, #tpu.memory_space<semaphore_mem>>)
    %dma_start3A = tpu.memref_slice %arg3[%mul3A_2] : memref<640000xi32, #tpu.memory_space<hbm>> -> memref<10000xi32, #tpu.memory_space<hbm>>
    %dma_start3A_5 = tpu.memref_slice %arg3[%mul3A_2] : memref<640000xi32, #tpu.memory_space<hbm>> -> memref<10000xi32, #tpu.memory_space<hbm>>
    tpu.enqueue_dma source(%dma_start3A_5 : memref<10000xi32, #tpu.memory_space<hbm>>) target(%arg7 : memref<10000xi32, #tpu.memory_space<vmem>>) target_semaphore(%arg10 : memref<!tpu.dma_semaphore, #tpu.memory_space<semaphore_mem>>)
    %dma_start3A_6 = tpu.memref_slice %arg3[%add3A_4] : memref<640000xi32, #tpu.memory_space<hbm>> -> memref<10000xi32, #tpu.memory_space<hbm>>
    %dma_start3A_7 = tpu.memref_slice %arg3[%add3A_4] : memref<640000xi32, #tpu.memory_space<hbm>> -> memref<10000xi32, #tpu.memory_space<hbm>>
    tpu.enqueue_dma source(%dma_start3A_7 : memref<10000xi32, #tpu.memory_space<hbm>>) target(%arg8 : memref<10000xi32, #tpu.memory_space<vmem>>) target_semaphore(%arg11 : memref<!tpu.dma_semaphore, #tpu.memory_space<semaphore_mem>>)
    %broadcast_in_dim3A = arith.constant 0.000000e+00 : f32
    %broadcast_in_dim3A_8 = vector.broadcast %broadcast_in_dim3A : f32 to vector<16xf32>
    %scan3A = arith.constant 0 : i32
    %scan3A_9 = arith.constant 0 : i32
    %scan3A_10 = arith.constant 624 : i32
    %scan3A_11 = arith.addi %scan3A_9, %scan3A_10 : i32
    %scan3A_12 = arith.constant 2 : i32
    %scan3A_13 = scf.for %scan3A_65 = %scan3A_9 to %scan3A_11 step %scan3A_12 iter_args(%scan3A_66 = %scan3A) -> (i32)  : i32 {
      %mul3A_67 = arith.constant 16 : i32
      %mul3A_68 = arith.muli %scan3A_65, %mul3A_67 : i32
      %swap3A_69 = arith.constant 0 : i32
      %swap3A_70 = arith.index_cast %swap3A_69 : i32 to index
      %swap3A_71 = arith.index_cast %mul3A_68 : i32 to index
      %swap3A_72 = tpu.vector_load %arg6[%swap3A_70, %swap3A_71] {strides = array<i32>} : memref<4x10000xf32, #tpu.memory_space<vmem>>, vector<16xf32>,
      tpu.vector_store %arg6[%swap3A_70, %swap3A_71], %broadcast_in_dim3A_8 {strides = array<i32>} : memref<4x10000xf32, #tpu.memory_space<vmem>>, vector<16xf32>,
      %mul3A_73 = arith.constant 16 : i32
      %mul3A_74 = arith.muli %scan3A_65, %mul3A_73 : i32
      %swap3A_75 = arith.constant 1 : i32
      %swap3A_76 = arith.index_cast %swap3A_75 : i32 to index
      %swap3A_77 = arith.index_cast %mul3A_74 : i32 to index
      %swap3A_78 = tpu.vector_load %arg6[%swap3A_76, %swap3A_77] {strides = array<i32>} : memref<4x10000xf32, #tpu.memory_space<vmem>>, vector<16xf32>,
      tpu.vector_store %arg6[%swap3A_76, %swap3A_77], %broadcast_in_dim3A_8 {strides = array<i32>} : memref<4x10000xf32, #tpu.memory_space<vmem>>, vector<16xf32>,
      %mul3A_79 = arith.constant 16 : i32
      %mul3A_80 = arith.muli %scan3A_65, %mul3A_79 : i32
      %swap3A_81 = arith.constant 2 : i32
      %swap3A_82 = arith.index_cast %swap3A_81 : i32 to index
      %swap3A_83 = arith.index_cast %mul3A_80 : i32 to index
      %swap3A_84 = tpu.vector_load %arg6[%swap3A_82, %swap3A_83] {strides = array<i32>} : memref<4x10000xf32, #tpu.memory_space<vmem>>, vector<16xf32>,
      tpu.vector_store %arg6[%swap3A_82, %swap3A_83], %broadcast_in_dim3A_8 {strides = array<i32>} : memref<4x10000xf32, #tpu.memory_space<vmem>>, vector<16xf32>,
      %mul3A_85 = arith.constant 16 : i32
      %mul3A_86 = arith.muli %scan3A_65, %mul3A_85 : i32
      %swap3A_87 = arith.constant 3 : i32
      %swap3A_88 = arith.index_cast %swap3A_87 : i32 to index
      %swap3A_89 = arith.index_cast %mul3A_86 : i32 to index
      %swap3A_90 = tpu.vector_load %arg6[%swap3A_88, %swap3A_89] {strides = array<i32>} : memref<4x10000xf32, #tpu.memory_space<vmem>>, vector<16xf32>,
      tpu.vector_store %arg6[%swap3A_88, %swap3A_89], %broadcast_in_dim3A_8 {strides = array<i32>} : memref<4x10000xf32, #tpu.memory_space<vmem>>, vector<16xf32>,
      %scan3A_91 = arith.constant 0 : i32
      %scan3A_92 = arith.constant 1 : i32
      %scan3A_93 = arith.addi %scan3A_65, %scan3A_92 : i32
      %mul3A_94 = arith.constant 16 : i32
      %mul3A_95 = arith.muli %scan3A_93, %mul3A_94 : i32
      %swap3A_96 = arith.constant 0 : i32
      %swap3A_97 = arith.index_cast %swap3A_96 : i32 to index
      %swap3A_98 = arith.index_cast %mul3A_95 : i32 to index
      %swap3A_99 = tpu.vector_load %arg6[%swap3A_97, %swap3A_98] {strides = array<i32>} : memref<4x10000xf32, #tpu.memory_space<vmem>>, vector<16xf32>,
      tpu.vector_store %arg6[%swap3A_97, %swap3A_98], %broadcast_in_dim3A_8 {strides = array<i32>} : memref<4x10000xf32, #tpu.memory_space<vmem>>, vector<16xf32>,
      %mul3A_100 = arith.constant 16 : i32
      %mul3A_101 = arith.muli %scan3A_93, %mul3A_100 : i32
      %swap3A_102 = arith.constant 1 : i32
      %swap3A_103 = arith.index_cast %swap3A_102 : i32 to index
      %swap3A_104 = arith.index_cast %mul3A_101 : i32 to index
      %swap3A_105 = tpu.vector_load %arg6[%swap3A_103, %swap3A_104] {strides = array<i32>} : memref<4x10000xf32, #tpu.memory_space<vmem>>, vector<16xf32>,
      tpu.vector_store %arg6[%swap3A_103, %swap3A_104], %broadcast_in_dim3A_8 {strides = array<i32>} : memref<4x10000xf32, #tpu.memory_space<vmem>>, vector<16xf32>,
      %mul3A_106 = arith.constant 16 : i32
      %mul3A_107 = arith.muli %scan3A_93, %mul3A_106 : i32
      %swap3A_108 = arith.constant 2 : i32
      %swap3A_109 = arith.index_cast %swap3A_108 : i32 to index
      %swap3A_110 = arith.index_cast %mul3A_107 : i32 to index
      %swap3A_111 = tpu.vector_load %arg6[%swap3A_109, %swap3A_110] {strides = array<i32>} : memref<4x10000xf32, #tpu.memory_space<vmem>>, vector<16xf32>,
      tpu.vector_store %arg6[%swap3A_109, %swap3A_110], %broadcast_in_dim3A_8 {strides = array<i32>} : memref<4x10000xf32, #tpu.memory_space<vmem>>, vector<16xf32>,
      %mul3A_112 = arith.constant 16 : i32
      %mul3A_113 = arith.muli %scan3A_93, %mul3A_112 : i32
      %swap3A_114 = arith.constant 3 : i32
      %swap3A_115 = arith.index_cast %swap3A_114 : i32 to index
      %swap3A_116 = arith.index_cast %mul3A_113 : i32 to index
      %swap3A_117 = tpu.vector_load %arg6[%swap3A_115, %swap3A_116] {strides = array<i32>} : memref<4x10000xf32, #tpu.memory_space<vmem>>, vector<16xf32>,
      tpu.vector_store %arg6[%swap3A_115, %swap3A_116], %broadcast_in_dim3A_8 {strides = array<i32>} : memref<4x10000xf32, #tpu.memory_space<vmem>>, vector<16xf32>,
      %scan3A_118 = arith.constant 0 : i32
      scf.yield %scan3A_118 : i32
    }
    %scan3A_14 = arith.constant 624 : i32
    %scan3A_15 = arith.addi %scan3A_9, %scan3A_14 : i32
    %mul3A_16 = arith.constant 16 : i32
    %mul3A_17 = arith.muli %scan3A_15, %mul3A_16 : i32
    %swap3A = arith.constant 0 : i32
    %swap3A_18 = arith.index_cast %swap3A : i32 to index
    %swap3A_19 = arith.index_cast %mul3A_17 : i32 to index
    %swap3A_20 = tpu.vector_load %arg6[%swap3A_18, %swap3A_19] {strides = array<i32>} : memref<4x10000xf32, #tpu.memory_space<vmem>>, vector<16xf32>,
    tpu.vector_store %arg6[%swap3A_18, %swap3A_19], %broadcast_in_dim3A_8 {strides = array<i32>} : memref<4x10000xf32, #tpu.memory_space<vmem>>, vector<16xf32>,
    %mul3A_21 = arith.constant 16 : i32
    %mul3A_22 = arith.muli %scan3A_15, %mul3A_21 : i32
    %swap3A_23 = arith.constant 1 : i32
    %swap3A_24 = arith.index_cast %swap3A_23 : i32 to index
    %swap3A_25 = arith.index_cast %mul3A_22 : i32 to index
    %swap3A_26 = tpu.vector_load %arg6[%swap3A_24, %swap3A_25] {strides = array<i32>} : memref<4x10000xf32, #tpu.memory_space<vmem>>, vector<16xf32>,
    tpu.vector_store %arg6[%swap3A_24, %swap3A_25], %broadcast_in_dim3A_8 {strides = array<i32>} : memref<4x10000xf32, #tpu.memory_space<vmem>>, vector<16xf32>,
    %mul3A_27 = arith.constant 16 : i32
    %mul3A_28 = arith.muli %scan3A_15, %mul3A_27 : i32
    %swap3A_29 = arith.constant 2 : i32
    %swap3A_30 = arith.index_cast %swap3A_29 : i32 to index
    %swap3A_31 = arith.index_cast %mul3A_28 : i32 to index
    %swap3A_32 = tpu.vector_load %arg6[%swap3A_30, %swap3A_31] {strides = array<i32>} : memref<4x10000xf32, #tpu.memory_space<vmem>>, vector<16xf32>,
    tpu.vector_store %arg6[%swap3A_30, %swap3A_31], %broadcast_in_dim3A_8 {strides = array<i32>} : memref<4x10000xf32, #tpu.memory_space<vmem>>, vector<16xf32>,
    %mul3A_33 = arith.constant 16 : i32
    %mul3A_34 = arith.muli %scan3A_15, %mul3A_33 : i32
    %swap3A_35 = arith.constant 3 : i32
    %swap3A_36 = arith.index_cast %swap3A_35 : i32 to index
    %swap3A_37 = arith.index_cast %mul3A_34 : i32 to index
    %swap3A_38 = tpu.vector_load %arg6[%swap3A_36, %swap3A_37] {strides = array<i32>} : memref<4x10000xf32, #tpu.memory_space<vmem>>, vector<16xf32>,
    tpu.vector_store %arg6[%swap3A_36, %swap3A_37], %broadcast_in_dim3A_8 {strides = array<i32>} : memref<4x10000xf32, #tpu.memory_space<vmem>>, vector<16xf32>,
    %scan3A_39 = arith.constant 0 : i32
    %scan3A_40 = arith.constant 625 : i32
    tpu.wait_dma2 semaphore(%arg9 : memref<!tpu.dma_semaphore, #tpu.memory_space<semaphore_mem>>) src(%arg2 : memref<2x10000xi32, #tpu.memory_space<hbm>>) dst(%arg5 : memref<2x10000xi32, #tpu.memory_space<vmem>>)
    %dma_wait3A = tpu.memref_slice %arg3[%mul3A_2] : memref<640000xi32, #tpu.memory_space<hbm>> -> memref<10000xi32, #tpu.memory_space<hbm>>
    %dma_wait3A_41 = tpu.memref_slice %arg3[%mul3A_2] : memref<640000xi32, #tpu.memory_space<hbm>> -> memref<10000xi32, #tpu.memory_space<hbm>>
    tpu.wait_dma2 semaphore(%arg10 : memref<!tpu.dma_semaphore, #tpu.memory_space<semaphore_mem>>) src(%dma_wait3A_41 : memref<10000xi32, #tpu.memory_space<hbm>>) dst(%arg7 : memref<10000xi32, #tpu.memory_space<vmem>>)
    %dma_wait3A_42 = tpu.memref_slice %arg3[%add3A_4] : memref<640000xi32, #tpu.memory_space<hbm>> -> memref<10000xi32, #tpu.memory_space<hbm>>
    %dma_wait3A_43 = tpu.memref_slice %arg3[%add3A_4] : memref<640000xi32, #tpu.memory_space<hbm>> -> memref<10000xi32, #tpu.memory_space<hbm>>
    tpu.wait_dma2 semaphore(%arg11 : memref<!tpu.dma_semaphore, #tpu.memory_space<semaphore_mem>>) src(%dma_wait3A_43 : memref<10000xi32, #tpu.memory_space<hbm>>) dst(%arg8 : memref<10000xi32, #tpu.memory_space<vmem>>)
    %broadcast_in_dim3A_44 = arith.constant 0 : i32
    %broadcast_in_dim3A_45 = vector.broadcast %broadcast_in_dim3A_44 : i32 to vector<16xi32>
    %broadcast_in_dim3A_46 = arith.constant 1 : i32
    %broadcast_in_dim3A_47 = vector.broadcast %broadcast_in_dim3A_46 : i32 to vector<16xi32>
    %broadcast_in_dim3A_48 = arith.constant 0 : i32
    %broadcast_in_dim3A_49 = vector.broadcast %broadcast_in_dim3A_48 : i32 to vector<16xi32>
    %broadcast_in_dim3A_50 = arith.constant 1 : i32
    %broadcast_in_dim3A_51 = vector.broadcast %broadcast_in_dim3A_50 : i32 to vector<16xi32>
    %broadcast_in_dim3A_52 = arith.constant 2 : i32
    %broadcast_in_dim3A_53 = vector.broadcast %broadcast_in_dim3A_52 : i32 to vector<16xi32>
    %broadcast_in_dim3A_54 = arith.constant 3 : i32
    %broadcast_in_dim3A_55 = vector.broadcast %broadcast_in_dim3A_54 : i32 to vector<16xi32>
    %broadcast_in_dim3A_56 = arith.constant -65536 : i32
    %broadcast_in_dim3A_57 = vector.broadcast %broadcast_in_dim3A_56 : i32 to vector<16xi32>
    %scan3A_58 = arith.constant 0 : i32
    %scan3A_59 = arith.constant 0 : i32
    %scan3A_60 = arith.constant 125 : i32
    %scan3A_61 = arith.addi %scan3A_59, %scan3A_60 : i32
    %scan3A_62 = arith.constant 1 : i32
    %scan3A_63 = scf.for %scan3A_65 = %scan3A_59 to %scan3A_61 step %scan3A_62 iter_args(%scan3A_66 = %scan3A_58) -> (i32)  : i32 {
      %mul3A_67 = arith.constant 5 : i32
      %mul3A_68 = arith.muli %scan3A_65, %mul3A_67 : i32
      %add3A_69 = arith.constant 0 : i32
      %add3A_70 = arith.addi %mul3A_68, %add3A_69 : i32
      %mul3A_71 = arith.constant 16 : i32
      %mul3A_72 = arith.muli %add3A_70, %mul3A_71 : i32
      %get3A = arith.index_cast %mul3A_72 : i32 to index
      %get3A_73 = tpu.vector_load %arg7[%get3A] {strides = array<i32>} : memref<10000xi32, #tpu.memory_space<vmem>>, vector<16xi32>,
      %get3A_74 = arith.index_cast %mul3A_72 : i32 to index
      %get3A_75 = tpu.vector_load %arg8[%get3A_74] {strides = array<i32>} : memref<10000xi32, #tpu.memory_space<vmem>>, vector<16xi32>,
      %gather3A = tpu.vector_load_idx %arg5[%broadcast_in_dim3A_45, %get3A_73] : memref<2x10000xi32, #tpu.memory_space<vmem>>[vector<16xi32>, vector<16xi32>], vector<16xi32>,
      %shift_left3A = arith.constant 16 : i32
      %shift_left3A_76 = vector.broadcast %shift_left3A : i32 to vector<16xi32>
      %shift_left3A_77 = arith.shli %gather3A, %shift_left3A_76 : vector<16xi32>
      %bitcast3A = vector.bitcast %shift_left3A_77 : vector<16xi32> to vector<16xf32>
      %and3A = arith.andi %gather3A, %broadcast_in_dim3A_57 : vector<16xi32>
      %bitcast3A_78 = vector.bitcast %and3A : vector<16xi32> to vector<16xf32>
      tpu.vector_store_idx %arg6[%broadcast_in_dim3A_49, %get3A_75], %bitcast3A {add = true} : memref<4x10000xf32, #tpu.memory_space<vmem>>[vector<16xi32>, vector<16xi32>], vector<16xf32>,
      tpu.vector_store_idx %arg6[%broadcast_in_dim3A_51, %get3A_75], %bitcast3A_78 {add = true} : memref<4x10000xf32, #tpu.memory_space<vmem>>[vector<16xi32>, vector<16xi32>], vector<16xf32>,
      %gather3A_79 = tpu.vector_load_idx %arg5[%broadcast_in_dim3A_47, %get3A_73] : memref<2x10000xi32, #tpu.memory_space<vmem>>[vector<16xi32>, vector<16xi32>], vector<16xi32>,
      %shift_left3A_80 = arith.constant 16 : i32
      %shift_left3A_81 = vector.broadcast %shift_left3A_80 : i32 to vector<16xi32>
      %shift_left3A_82 = arith.shli %gather3A_79, %shift_left3A_81 : vector<16xi32>
      %bitcast3A_83 = vector.bitcast %shift_left3A_82 : vector<16xi32> to vector<16xf32>
      %and3A_84 = arith.andi %gather3A_79, %broadcast_in_dim3A_57 : vector<16xi32>
      %bitcast3A_85 = vector.bitcast %and3A_84 : vector<16xi32> to vector<16xf32>
      tpu.vector_store_idx %arg6[%broadcast_in_dim3A_53, %get3A_75], %bitcast3A_83 {add = true} : memref<4x10000xf32, #tpu.memory_space<vmem>>[vector<16xi32>, vector<16xi32>], vector<16xf32>,
      tpu.vector_store_idx %arg6[%broadcast_in_dim3A_55, %get3A_75], %bitcast3A_85 {add = true} : memref<4x10000xf32, #tpu.memory_space<vmem>>[vector<16xi32>, vector<16xi32>], vector<16xf32>,
      %mul3A_86 = arith.constant 5 : i32
      %mul3A_87 = arith.muli %scan3A_65, %mul3A_86 : i32
      %add3A_88 = arith.constant 1 : i32
      %add3A_89 = arith.addi %mul3A_87, %add3A_88 : i32
      %mul3A_90 = arith.constant 16 : i32
      %mul3A_91 = arith.muli %add3A_89, %mul3A_90 : i32
      %get3A_92 = arith.index_cast %mul3A_91 : i32 to index
      %get3A_93 = tpu.vector_load %arg7[%get3A_92] {strides = array<i32>} : memref<10000xi32, #tpu.memory_space<vmem>>, vector<16xi32>,
      %get3A_94 = arith.index_cast %mul3A_91 : i32 to index
      %get3A_95 = tpu.vector_load %arg8[%get3A_94] {strides = array<i32>} : memref<10000xi32, #tpu.memory_space<vmem>>, vector<16xi32>,
      %gather3A_96 = tpu.vector_load_idx %arg5[%broadcast_in_dim3A_45, %get3A_93] : memref<2x10000xi32, #tpu.memory_space<vmem>>[vector<16xi32>, vector<16xi32>], vector<16xi32>,
      %shift_left3A_97 = arith.constant 16 : i32
      %shift_left3A_98 = vector.broadcast %shift_left3A_97 : i32 to vector<16xi32>
      %shift_left3A_99 = arith.shli %gather3A_96, %shift_left3A_98 : vector<16xi32>
      %bitcast3A_100 = vector.bitcast %shift_left3A_99 : vector<16xi32> to vector<16xf32>
      %and3A_101 = arith.andi %gather3A_96, %broadcast_in_dim3A_57 : vector<16xi32>
      %bitcast3A_102 = vector.bitcast %and3A_101 : vector<16xi32> to vector<16xf32>
      tpu.vector_store_idx %arg6[%broadcast_in_dim3A_49, %get3A_95], %bitcast3A_100 {add = true} : memref<4x10000xf32, #tpu.memory_space<vmem>>[vector<16xi32>, vector<16xi32>], vector<16xf32>,
      tpu.vector_store_idx %arg6[%broadcast_in_dim3A_51, %get3A_95], %bitcast3A_102 {add = true} : memref<4x10000xf32, #tpu.memory_space<vmem>>[vector<16xi32>, vector<16xi32>], vector<16xf32>,
      %gather3A_103 = tpu.vector_load_idx %arg5[%broadcast_in_dim3A_47, %get3A_93] : memref<2x10000xi32, #tpu.memory_space<vmem>>[vector<16xi32>, vector<16xi32>], vector<16xi32>,
      %shift_left3A_104 = arith.constant 16 : i32
      %shift_left3A_105 = vector.broadcast %shift_left3A_104 : i32 to vector<16xi32>
      %shift_left3A_106 = arith.shli %gather3A_103, %shift_left3A_105 : vector<16xi32>
      %bitcast3A_107 = vector.bitcast %shift_left3A_106 : vector<16xi32> to vector<16xf32>
      %and3A_108 = arith.andi %gather3A_103, %broadcast_in_dim3A_57 : vector<16xi32>
      %bitcast3A_109 = vector.bitcast %and3A_108 : vector<16xi32> to vector<16xf32>
      tpu.vector_store_idx %arg6[%broadcast_in_dim3A_53, %get3A_95], %bitcast3A_107 {add = true} : memref<4x10000xf32, #tpu.memory_space<vmem>>[vector<16xi32>, vector<16xi32>], vector<16xf32>,
      tpu.vector_store_idx %arg6[%broadcast_in_dim3A_55, %get3A_95], %bitcast3A_109 {add = true} : memref<4x10000xf32, #tpu.memory_space<vmem>>[vector<16xi32>, vector<16xi32>], vector<16xf32>,
      %mul3A_110 = arith.constant 5 : i32
      %mul3A_111 = arith.muli %scan3A_65, %mul3A_110 : i32
      %add3A_112 = arith.constant 2 : i32
      %add3A_113 = arith.addi %mul3A_111, %add3A_112 : i32
      %mul3A_114 = arith.constant 16 : i32
      %mul3A_115 = arith.muli %add3A_113, %mul3A_114 : i32
      %get3A_116 = arith.index_cast %mul3A_115 : i32 to index
      %get3A_117 = tpu.vector_load %arg7[%get3A_116] {strides = array<i32>} : memref<10000xi32, #tpu.memory_space<vmem>>, vector<16xi32>,
      %get3A_118 = arith.index_cast %mul3A_115 : i32 to index
      %get3A_119 = tpu.vector_load %arg8[%get3A_118] {strides = array<i32>} : memref<10000xi32, #tpu.memory_space<vmem>>, vector<16xi32>,
      %gather3A_120 = tpu.vector_load_idx %arg5[%broadcast_in_dim3A_45, %get3A_117] : memref<2x10000xi32, #tpu.memory_space<vmem>>[vector<16xi32>, vector<16xi32>], vector<16xi32>,
      %shift_left3A_121 = arith.constant 16 : i32
      %shift_left3A_122 = vector.broadcast %shift_left3A_121 : i32 to vector<16xi32>
      %shift_left3A_123 = arith.shli %gather3A_120, %shift_left3A_122 : vector<16xi32>
      %bitcast3A_124 = vector.bitcast %shift_left3A_123 : vector<16xi32> to vector<16xf32>
      %and3A_125 = arith.andi %gather3A_120, %broadcast_in_dim3A_57 : vector<16xi32>
      %bitcast3A_126 = vector.bitcast %and3A_125 : vector<16xi32> to vector<16xf32>
      tpu.vector_store_idx %arg6[%broadcast_in_dim3A_49, %get3A_119], %bitcast3A_124 {add = true} : memref<4x10000xf32, #tpu.memory_space<vmem>>[vector<16xi32>, vector<16xi32>], vector<16xf32>,
      tpu.vector_store_idx %arg6[%broadcast_in_dim3A_51, %get3A_119], %bitcast3A_126 {add = true} : memref<4x10000xf32, #tpu.memory_space<vmem>>[vector<16xi32>, vector<16xi32>], vector<16xf32>,
      %gather3A_127 = tpu.vector_load_idx %arg5[%broadcast_in_dim3A_47, %get3A_117] : memref<2x10000xi32, #tpu.memory_space<vmem>>[vector<16xi32>, vector<16xi32>], vector<16xi32>,
      %shift_left3A_128 = arith.constant 16 : i32
      %shift_left3A_129 = vector.broadcast %shift_left3A_128 : i32 to vector<16xi32>
      %shift_left3A_130 = arith.shli %gather3A_127, %shift_left3A_129 : vector<16xi32>
      %bitcast3A_131 = vector.bitcast %shift_left3A_130 : vector<16xi32> to vector<16xf32>
      %and3A_132 = arith.andi %gather3A_127, %broadcast_in_dim3A_57 : vector<16xi32>
      %bitcast3A_133 = vector.bitcast %and3A_132 : vector<16xi32> to vector<16xf32>
      tpu.vector_store_idx %arg6[%broadcast_in_dim3A_53, %get3A_119], %bitcast3A_131 {add = true} : memref<4x10000xf32, #tpu.memory_space<vmem>>[vector<16xi32>, vector<16xi32>], vector<16xf32>,
      tpu.vector_store_idx %arg6[%broadcast_in_dim3A_55, %get3A_119], %bitcast3A_133 {add = true} : memref<4x10000xf32, #tpu.memory_space<vmem>>[vector<16xi32>, vector<16xi32>], vector<16xf32>,
      %mul3A_134 = arith.constant 5 : i32
      %mul3A_135 = arith.muli %scan3A_65, %mul3A_134 : i32
      %add3A_136 = arith.constant 3 : i32
      %add3A_137 = arith.addi %mul3A_135, %add3A_136 : i32
      %mul3A_138 = arith.constant 16 : i32
      %mul3A_139 = arith.muli %add3A_137, %mul3A_138 : i32
      %get3A_140 = arith.index_cast %mul3A_139 : i32 to index
      %get3A_141 = tpu.vector_load %arg7[%get3A_140] {strides = array<i32>} : memref<10000xi32, #tpu.memory_space<vmem>>, vector<16xi32>,
      %get3A_142 = arith.index_cast %mul3A_139 : i32 to index
      %get3A_143 = tpu.vector_load %arg8[%get3A_142] {strides = array<i32>} : memref<10000xi32, #tpu.memory_space<vmem>>, vector<16xi32>,
      %gather3A_144 = tpu.vector_load_idx %arg5[%broadcast_in_dim3A_45, %get3A_141] : memref<2x10000xi32, #tpu.memory_space<vmem>>[vector<16xi32>, vector<16xi32>], vector<16xi32>,
      %shift_left3A_145 = arith.constant 16 : i32
      %shift_left3A_146 = vector.broadcast %shift_left3A_145 : i32 to vector<16xi32>
      %shift_left3A_147 = arith.shli %gather3A_144, %shift_left3A_146 : vector<16xi32>
      %bitcast3A_148 = vector.bitcast %shift_left3A_147 : vector<16xi32> to vector<16xf32>
      %and3A_149 = arith.andi %gather3A_144, %broadcast_in_dim3A_57 : vector<16xi32>
      %bitcast3A_150 = vector.bitcast %and3A_149 : vector<16xi32> to vector<16xf32>
      tpu.vector_store_idx %arg6[%broadcast_in_dim3A_49, %get3A_143], %bitcast3A_148 {add = true} : memref<4x10000xf32, #tpu.memory_space<vmem>>[vector<16xi32>, vector<16xi32>], vector<16xf32>,
      tpu.vector_store_idx %arg6[%broadcast_in_dim3A_51, %get3A_143], %bitcast3A_150 {add = true} : memref<4x10000xf32, #tpu.memory_space<vmem>>[vector<16xi32>, vector<16xi32>], vector<16xf32>,
      %gather3A_151 = tpu.vector_load_idx %arg5[%broadcast_in_dim3A_47, %get3A_141] : memref<2x10000xi32, #tpu.memory_space<vmem>>[vector<16xi32>, vector<16xi32>], vector<16xi32>,
      %shift_left3A_152 = arith.constant 16 : i32
      %shift_left3A_153 = vector.broadcast %shift_left3A_152 : i32 to vector<16xi32>
      %shift_left3A_154 = arith.shli %gather3A_151, %shift_left3A_153 : vector<16xi32>
      %bitcast3A_155 = vector.bitcast %shift_left3A_154 : vector<16xi32> to vector<16xf32>
      %and3A_156 = arith.andi %gather3A_151, %broadcast_in_dim3A_57 : vector<16xi32>
      %bitcast3A_157 = vector.bitcast %and3A_156 : vector<16xi32> to vector<16xf32>
      tpu.vector_store_idx %arg6[%broadcast_in_dim3A_53, %get3A_143], %bitcast3A_155 {add = true} : memref<4x10000xf32, #tpu.memory_space<vmem>>[vector<16xi32>, vector<16xi32>], vector<16xf32>,
      tpu.vector_store_idx %arg6[%broadcast_in_dim3A_55, %get3A_143], %bitcast3A_157 {add = true} : memref<4x10000xf32, #tpu.memory_space<vmem>>[vector<16xi32>, vector<16xi32>], vector<16xf32>,
      %mul3A_158 = arith.constant 5 : i32
      %mul3A_159 = arith.muli %scan3A_65, %mul3A_158 : i32
      %add3A_160 = arith.constant 4 : i32
      %add3A_161 = arith.addi %mul3A_159, %add3A_160 : i32
      %mul3A_162 = arith.constant 16 : i32
      %mul3A_163 = arith.muli %add3A_161, %mul3A_162 : i32
      %get3A_164 = arith.index_cast %mul3A_163 : i32 to index
      %get3A_165 = tpu.vector_load %arg7[%get3A_164] {strides = array<i32>} : memref<10000xi32, #tpu.memory_space<vmem>>, vector<16xi32>,
      %get3A_166 = arith.index_cast %mul3A_163 : i32 to index
      %get3A_167 = tpu.vector_load %arg8[%get3A_166] {strides = array<i32>} : memref<10000xi32, #tpu.memory_space<vmem>>, vector<16xi32>,
      %gather3A_168 = tpu.vector_load_idx %arg5[%broadcast_in_dim3A_45, %get3A_165] : memref<2x10000xi32, #tpu.memory_space<vmem>>[vector<16xi32>, vector<16xi32>], vector<16xi32>,
      %shift_left3A_169 = arith.constant 16 : i32
      %shift_left3A_170 = vector.broadcast %shift_left3A_169 : i32 to vector<16xi32>
      %shift_left3A_171 = arith.shli %gather3A_168, %shift_left3A_170 : vector<16xi32>
      %bitcast3A_172 = vector.bitcast %shift_left3A_171 : vector<16xi32> to vector<16xf32>
      %and3A_173 = arith.andi %gather3A_168, %broadcast_in_dim3A_57 : vector<16xi32>
      %bitcast3A_174 = vector.bitcast %and3A_173 : vector<16xi32> to vector<16xf32>
      tpu.vector_store_idx %arg6[%broadcast_in_dim3A_49, %get3A_167], %bitcast3A_172 {add = true} : memref<4x10000xf32, #tpu.memory_space<vmem>>[vector<16xi32>, vector<16xi32>], vector<16xf32>,
      tpu.vector_store_idx %arg6[%broadcast_in_dim3A_51, %get3A_167], %bitcast3A_174 {add = true} : memref<4x10000xf32, #tpu.memory_space<vmem>>[vector<16xi32>, vector<16xi32>], vector<16xf32>,
      %gather3A_175 = tpu.vector_load_idx %arg5[%broadcast_in_dim3A_47, %get3A_165] : memref<2x10000xi32, #tpu.memory_space<vmem>>[vector<16xi32>, vector<16xi32>], vector<16xi32>,
      %shift_left3A_176 = arith.constant 16 : i32
      %shift_left3A_177 = vector.broadcast %shift_left3A_176 : i32 to vector<16xi32>
      %shift_left3A_178 = arith.shli %gather3A_175, %shift_left3A_177 : vector<16xi32>
      %bitcast3A_179 = vector.bitcast %shift_left3A_178 : vector<16xi32> to vector<16xf32>
      %and3A_180 = arith.andi %gather3A_175, %broadcast_in_dim3A_57 : vector<16xi32>
      %bitcast3A_181 = vector.bitcast %and3A_180 : vector<16xi32> to vector<16xf32>
      tpu.vector_store_idx %arg6[%broadcast_in_dim3A_53, %get3A_167], %bitcast3A_179 {add = true} : memref<4x10000xf32, #tpu.memory_space<vmem>>[vector<16xi32>, vector<16xi32>], vector<16xf32>,
      tpu.vector_store_idx %arg6[%broadcast_in_dim3A_55, %get3A_167], %bitcast3A_181 {add = true} : memref<4x10000xf32, #tpu.memory_space<vmem>>[vector<16xi32>, vector<16xi32>], vector<16xf32>,
      %scan3A_182 = arith.constant 0 : i32
      scf.yield %scan3A_182 : i32
    }
    %scan3A_64 = arith.constant 125 : i32
    "tpu.region"() ({
      %run_scoped3A = tpu.sem_alloc : memref<!tpu.dma_semaphore, #tpu.memory_space<semaphore_mem>>
      %dma_start3A_65 = arith.constant 0 : i32
      %dma_start3A_66 = arith.constant 0 : i32
      %dma_start3A_67 = tpu.memref_slice %arg4[%add3A, %dma_start3A_65, %dma_start3A_66] : memref<32x4x10000xf32, #tpu.memory_space<hbm>> -> memref<1x4x10000xf32, #tpu.memory_space<hbm>>
      %dma_start3A_68 = tpu.memref_squeeze %dma_start3A_67 : memref<1x4x10000xf32, #tpu.memory_space<hbm>> -> memref<4x10000xf32, #tpu.memory_space<hbm>>
      %dma_start3A_69 = arith.constant 0 : i32
      %dma_start3A_70 = arith.constant 0 : i32
      %dma_start3A_71 = tpu.memref_slice %arg4[%add3A, %dma_start3A_69, %dma_start3A_70] : memref<32x4x10000xf32, #tpu.memory_space<hbm>> -> memref<1x4x10000xf32, #tpu.memory_space<hbm>>
      %dma_start3A_72 = tpu.memref_squeeze %dma_start3A_71 : memref<1x4x10000xf32, #tpu.memory_space<hbm>> -> memref<4x10000xf32, #tpu.memory_space<hbm>>
      tpu.enqueue_dma source(%arg6 : memref<4x10000xf32, #tpu.memory_space<vmem>>) target(%dma_start3A_72 : memref<4x10000xf32, #tpu.memory_space<hbm>>) target_semaphore(%run_scoped3A : memref<!tpu.dma_semaphore, #tpu.memory_space<semaphore_mem>>)
      %dma_wait3A_73 = arith.constant 0 : i32
      %dma_wait3A_74 = arith.constant 0 : i32
      %dma_wait3A_75 = tpu.memref_slice %arg4[%add3A, %dma_wait3A_73, %dma_wait3A_74] : memref<32x4x10000xf32, #tpu.memory_space<hbm>> -> memref<1x4x10000xf32, #tpu.memory_space<hbm>>
      %dma_wait3A_76 = tpu.memref_squeeze %dma_wait3A_75 : memref<1x4x10000xf32, #tpu.memory_space<hbm>> -> memref<4x10000xf32, #tpu.memory_space<hbm>>
      %dma_wait3A_77 = arith.constant 0 : i32
      %dma_wait3A_78 = arith.constant 0 : i32
      %dma_wait3A_79 = tpu.memref_slice %arg4[%add3A, %dma_wait3A_77, %dma_wait3A_78] : memref<32x4x10000xf32, #tpu.memory_space<hbm>> -> memref<1x4x10000xf32, #tpu.memory_space<hbm>>
      %dma_wait3A_80 = tpu.memref_squeeze %dma_wait3A_79 : memref<1x4x10000xf32, #tpu.memory_space<hbm>> -> memref<4x10000xf32, #tpu.memory_space<hbm>>
      tpu.wait_dma2 semaphore(%run_scoped3A : memref<!tpu.dma_semaphore, #tpu.memory_space<semaphore_mem>>) src(%arg6 : memref<4x10000xf32, #tpu.memory_space<vmem>>) dst(%dma_wait3A_80 : memref<4x10000xf32, #tpu.memory_space<hbm>>)
      tpu.yield
    }) : () -> ()
    return
  }
}

#map = affine_map<(d0, d1) -> (0)>
#map1 = affine_map<(d0, d1) -> (0, 0)>
module attributes {stable_mosaic.version = 14 : i64} {
  func.func @deg_kernel(%arg0: i32, %arg1: i32, %arg2: memref<640000xi32, #tpu.memory_space<hbm>>, %arg3: memref<32x10000xf32, #tpu.memory_space<hbm>>, %arg4: memref<10000xi32, #tpu.memory_space<vmem>>, %arg5: memref<10000xf32, #tpu.memory_space<vmem>>, %arg6: memref<!tpu.dma_semaphore, #tpu.memory_space<semaphore_mem>>) attributes {dimension_semantics = [#tpu.dimension_semantics<core_parallel>, #tpu.dimension_semantics<subcore_parallel>], iteration_bounds = array<i64: 2, 16>, scalar_prefetch = 0 : i64, scratch_operands = 3 : i64, tpu.core_type = #tpu.core_type<sc_vector_subcore>, window_params = [{transform_indices = #map}, {transform_indices = #map1}]} {
    %mul3A = arith.constant 2 : i32
    %mul3A_0 = arith.muli %arg1, %mul3A : i32
    %add3A = arith.addi %mul3A_0, %arg0 : i32
    %mul3A_1 = arith.constant 10000 : i32
    %mul3A_2 = arith.muli %add3A, %mul3A_1 : i32
    %add3A_3 = arith.constant 320000 : i32
    %add3A_4 = arith.addi %add3A_3, %mul3A_2 : i32
    %dma_start3A = tpu.memref_slice %arg2[%add3A_4] : memref<640000xi32, #tpu.memory_space<hbm>> -> memref<10000xi32, #tpu.memory_space<hbm>>
    %dma_start3A_5 = tpu.memref_slice %arg2[%add3A_4] : memref<640000xi32, #tpu.memory_space<hbm>> -> memref<10000xi32, #tpu.memory_space<hbm>>
    tpu.enqueue_dma source(%dma_start3A_5 : memref<10000xi32, #tpu.memory_space<hbm>>) target(%arg4 : memref<10000xi32, #tpu.memory_space<vmem>>) target_semaphore(%arg6 : memref<!tpu.dma_semaphore, #tpu.memory_space<semaphore_mem>>)
    %broadcast_in_dim3A = arith.constant 0.000000e+00 : f32
    %broadcast_in_dim3A_6 = vector.broadcast %broadcast_in_dim3A : f32 to vector<16xf32>
    %scan3A = arith.constant 0 : i32
    %scan3A_7 = arith.constant 0 : i32
    %scan3A_8 = arith.constant 624 : i32
    %scan3A_9 = arith.addi %scan3A_7, %scan3A_8 : i32
    %scan3A_10 = arith.constant 4 : i32
    %scan3A_11 = scf.for %scan3A_29 = %scan3A_7 to %scan3A_9 step %scan3A_10 iter_args(%scan3A_30 = %scan3A) -> (i32)  : i32 {
      %mul3A_31 = arith.constant 16 : i32
      %mul3A_32 = arith.muli %scan3A_29, %mul3A_31 : i32
      %swap3A_33 = arith.index_cast %mul3A_32 : i32 to index
      %swap3A_34 = tpu.vector_load %arg5[%swap3A_33] {strides = array<i32>} : memref<10000xf32, #tpu.memory_space<vmem>>, vector<16xf32>,
      tpu.vector_store %arg5[%swap3A_33], %broadcast_in_dim3A_6 {strides = array<i32>} : memref<10000xf32, #tpu.memory_space<vmem>>, vector<16xf32>,
      %scan3A_35 = arith.constant 0 : i32
      %scan3A_36 = arith.constant 1 : i32
      %scan3A_37 = arith.addi %scan3A_29, %scan3A_36 : i32
      %mul3A_38 = arith.constant 16 : i32
      %mul3A_39 = arith.muli %scan3A_37, %mul3A_38 : i32
      %swap3A_40 = arith.index_cast %mul3A_39 : i32 to index
      %swap3A_41 = tpu.vector_load %arg5[%swap3A_40] {strides = array<i32>} : memref<10000xf32, #tpu.memory_space<vmem>>, vector<16xf32>,
      tpu.vector_store %arg5[%swap3A_40], %broadcast_in_dim3A_6 {strides = array<i32>} : memref<10000xf32, #tpu.memory_space<vmem>>, vector<16xf32>,
      %scan3A_42 = arith.constant 0 : i32
      %scan3A_43 = arith.constant 2 : i32
      %scan3A_44 = arith.addi %scan3A_29, %scan3A_43 : i32
      %mul3A_45 = arith.constant 16 : i32
      %mul3A_46 = arith.muli %scan3A_44, %mul3A_45 : i32
      %swap3A_47 = arith.index_cast %mul3A_46 : i32 to index
      %swap3A_48 = tpu.vector_load %arg5[%swap3A_47] {strides = array<i32>} : memref<10000xf32, #tpu.memory_space<vmem>>, vector<16xf32>,
      tpu.vector_store %arg5[%swap3A_47], %broadcast_in_dim3A_6 {strides = array<i32>} : memref<10000xf32, #tpu.memory_space<vmem>>, vector<16xf32>,
      %scan3A_49 = arith.constant 0 : i32
      %scan3A_50 = arith.constant 3 : i32
      %scan3A_51 = arith.addi %scan3A_29, %scan3A_50 : i32
      %mul3A_52 = arith.constant 16 : i32
      %mul3A_53 = arith.muli %scan3A_51, %mul3A_52 : i32
      %swap3A_54 = arith.index_cast %mul3A_53 : i32 to index
      %swap3A_55 = tpu.vector_load %arg5[%swap3A_54] {strides = array<i32>} : memref<10000xf32, #tpu.memory_space<vmem>>, vector<16xf32>,
      tpu.vector_store %arg5[%swap3A_54], %broadcast_in_dim3A_6 {strides = array<i32>} : memref<10000xf32, #tpu.memory_space<vmem>>, vector<16xf32>,
      %scan3A_56 = arith.constant 0 : i32
      scf.yield %scan3A_56 : i32
    }
    %scan3A_12 = arith.constant 624 : i32
    %scan3A_13 = arith.addi %scan3A_7, %scan3A_12 : i32
    %mul3A_14 = arith.constant 16 : i32
    %mul3A_15 = arith.muli %scan3A_13, %mul3A_14 : i32
    %swap3A = arith.index_cast %mul3A_15 : i32 to index
    %swap3A_16 = tpu.vector_load %arg5[%swap3A] {strides = array<i32>} : memref<10000xf32, #tpu.memory_space<vmem>>, vector<16xf32>,
    tpu.vector_store %arg5[%swap3A], %broadcast_in_dim3A_6 {strides = array<i32>} : memref<10000xf32, #tpu.memory_space<vmem>>, vector<16xf32>,
    %scan3A_17 = arith.constant 0 : i32
    %scan3A_18 = arith.constant 625 : i32
    %dma_wait3A = tpu.memref_slice %arg2[%add3A_4] : memref<640000xi32, #tpu.memory_space<hbm>> -> memref<10000xi32, #tpu.memory_space<hbm>>
    %dma_wait3A_19 = tpu.memref_slice %arg2[%add3A_4] : memref<640000xi32, #tpu.memory_space<hbm>> -> memref<10000xi32, #tpu.memory_space<hbm>>
    tpu.wait_dma2 semaphore(%arg6 : memref<!tpu.dma_semaphore, #tpu.memory_space<semaphore_mem>>) src(%dma_wait3A_19 : memref<10000xi32, #tpu.memory_space<hbm>>) dst(%arg4 : memref<10000xi32, #tpu.memory_space<vmem>>)
    %broadcast_in_dim3A_20 = arith.constant 1.000000e+00 : f32
    %broadcast_in_dim3A_21 = vector.broadcast %broadcast_in_dim3A_20 : f32 to vector<16xf32>
    %scan3A_22 = arith.constant 0 : i32
    %scan3A_23 = arith.constant 0 : i32
    %scan3A_24 = arith.constant 125 : i32
    %scan3A_25 = arith.addi %scan3A_23, %scan3A_24 : i32
    %scan3A_26 = arith.constant 1 : i32
    %scan3A_27 = scf.for %scan3A_29 = %scan3A_23 to %scan3A_25 step %scan3A_26 iter_args(%scan3A_30 = %scan3A_22) -> (i32)  : i32 {
      %mul3A_31 = arith.constant 5 : i32
      %mul3A_32 = arith.muli %scan3A_29, %mul3A_31 : i32
      %add3A_33 = arith.constant 0 : i32
      %add3A_34 = arith.addi %mul3A_32, %add3A_33 : i32
      %mul3A_35 = arith.constant 16 : i32
      %mul3A_36 = arith.muli %add3A_34, %mul3A_35 : i32
      %get3A = arith.index_cast %mul3A_36 : i32 to index
      %get3A_37 = tpu.vector_load %arg4[%get3A] {strides = array<i32>} : memref<10000xi32, #tpu.memory_space<vmem>>, vector<16xi32>,
      tpu.vector_store_idx %arg5[%get3A_37], %broadcast_in_dim3A_21 {add = true} : memref<10000xf32, #tpu.memory_space<vmem>>[vector<16xi32>], vector<16xf32>,
      %mul3A_38 = arith.constant 5 : i32
      %mul3A_39 = arith.muli %scan3A_29, %mul3A_38 : i32
      %add3A_40 = arith.constant 1 : i32
      %add3A_41 = arith.addi %mul3A_39, %add3A_40 : i32
      %mul3A_42 = arith.constant 16 : i32
      %mul3A_43 = arith.muli %add3A_41, %mul3A_42 : i32
      %get3A_44 = arith.index_cast %mul3A_43 : i32 to index
      %get3A_45 = tpu.vector_load %arg4[%get3A_44] {strides = array<i32>} : memref<10000xi32, #tpu.memory_space<vmem>>, vector<16xi32>,
      tpu.vector_store_idx %arg5[%get3A_45], %broadcast_in_dim3A_21 {add = true} : memref<10000xf32, #tpu.memory_space<vmem>>[vector<16xi32>], vector<16xf32>,
      %mul3A_46 = arith.constant 5 : i32
      %mul3A_47 = arith.muli %scan3A_29, %mul3A_46 : i32
      %add3A_48 = arith.constant 2 : i32
      %add3A_49 = arith.addi %mul3A_47, %add3A_48 : i32
      %mul3A_50 = arith.constant 16 : i32
      %mul3A_51 = arith.muli %add3A_49, %mul3A_50 : i32
      %get3A_52 = arith.index_cast %mul3A_51 : i32 to index
      %get3A_53 = tpu.vector_load %arg4[%get3A_52] {strides = array<i32>} : memref<10000xi32, #tpu.memory_space<vmem>>, vector<16xi32>,
      tpu.vector_store_idx %arg5[%get3A_53], %broadcast_in_dim3A_21 {add = true} : memref<10000xf32, #tpu.memory_space<vmem>>[vector<16xi32>], vector<16xf32>,
      %mul3A_54 = arith.constant 5 : i32
      %mul3A_55 = arith.muli %scan3A_29, %mul3A_54 : i32
      %add3A_56 = arith.constant 3 : i32
      %add3A_57 = arith.addi %mul3A_55, %add3A_56 : i32
      %mul3A_58 = arith.constant 16 : i32
      %mul3A_59 = arith.muli %add3A_57, %mul3A_58 : i32
      %get3A_60 = arith.index_cast %mul3A_59 : i32 to index
      %get3A_61 = tpu.vector_load %arg4[%get3A_60] {strides = array<i32>} : memref<10000xi32, #tpu.memory_space<vmem>>, vector<16xi32>,
      tpu.vector_store_idx %arg5[%get3A_61], %broadcast_in_dim3A_21 {add = true} : memref<10000xf32, #tpu.memory_space<vmem>>[vector<16xi32>], vector<16xf32>,
      %mul3A_62 = arith.constant 5 : i32
      %mul3A_63 = arith.muli %scan3A_29, %mul3A_62 : i32
      %add3A_64 = arith.constant 4 : i32
      %add3A_65 = arith.addi %mul3A_63, %add3A_64 : i32
      %mul3A_66 = arith.constant 16 : i32
      %mul3A_67 = arith.muli %add3A_65, %mul3A_66 : i32
      %get3A_68 = arith.index_cast %mul3A_67 : i32 to index
      %get3A_69 = tpu.vector_load %arg4[%get3A_68] {strides = array<i32>} : memref<10000xi32, #tpu.memory_space<vmem>>, vector<16xi32>,
      tpu.vector_store_idx %arg5[%get3A_69], %broadcast_in_dim3A_21 {add = true} : memref<10000xf32, #tpu.memory_space<vmem>>[vector<16xi32>], vector<16xf32>,
      %scan3A_70 = arith.constant 0 : i32
      scf.yield %scan3A_70 : i32
    }
    %scan3A_28 = arith.constant 125 : i32
    "tpu.region"() ({
      %run_scoped3A = tpu.sem_alloc : memref<!tpu.dma_semaphore, #tpu.memory_space<semaphore_mem>>
      %dma_start3A_29 = arith.constant 0 : i32
      %dma_start3A_30 = tpu.memref_slice %arg3[%add3A, %dma_start3A_29] : memref<32x10000xf32, #tpu.memory_space<hbm>> -> memref<1x10000xf32, #tpu.memory_space<hbm>>
      %dma_start3A_31 = tpu.memref_squeeze %dma_start3A_30 : memref<1x10000xf32, #tpu.memory_space<hbm>> -> memref<10000xf32, #tpu.memory_space<hbm>>
      %dma_start3A_32 = arith.constant 0 : i32
      %dma_start3A_33 = tpu.memref_slice %arg3[%add3A, %dma_start3A_32] : memref<32x10000xf32, #tpu.memory_space<hbm>> -> memref<1x10000xf32, #tpu.memory_space<hbm>>
      %dma_start3A_34 = tpu.memref_squeeze %dma_start3A_33 : memref<1x10000xf32, #tpu.memory_space<hbm>> -> memref<10000xf32, #tpu.memory_space<hbm>>
      tpu.enqueue_dma source(%arg5 : memref<10000xf32, #tpu.memory_space<vmem>>) target(%dma_start3A_34 : memref<10000xf32, #tpu.memory_space<hbm>>) target_semaphore(%run_scoped3A : memref<!tpu.dma_semaphore, #tpu.memory_space<semaphore_mem>>)
      %dma_wait3A_35 = arith.constant 0 : i32
      %dma_wait3A_36 = tpu.memref_slice %arg3[%add3A, %dma_wait3A_35] : memref<32x10000xf32, #tpu.memory_space<hbm>> -> memref<1x10000xf32, #tpu.memory_space<hbm>>
      %dma_wait3A_37 = tpu.memref_squeeze %dma_wait3A_36 : memref<1x10000xf32, #tpu.memory_space<hbm>> -> memref<10000xf32, #tpu.memory_space<hbm>>
      %dma_wait3A_38 = arith.constant 0 : i32
      %dma_wait3A_39 = tpu.memref_slice %arg3[%add3A, %dma_wait3A_38] : memref<32x10000xf32, #tpu.memory_space<hbm>> -> memref<1x10000xf32, #tpu.memory_space<hbm>>
      %dma_wait3A_40 = tpu.memref_squeeze %dma_wait3A_39 : memref<1x10000xf32, #tpu.memory_space<hbm>> -> memref<10000xf32, #tpu.memory_space<hbm>>
      tpu.wait_dma2 semaphore(%run_scoped3A : memref<!tpu.dma_semaphore, #tpu.memory_space<semaphore_mem>>) src(%arg5 : memref<10000xf32, #tpu.memory_space<vmem>>) dst(%dma_wait3A_40 : memref<10000xf32, #tpu.memory_space<hbm>>)
      tpu.yield
    }) : () -> ()
    return
  }
}

#map = affine_map<(d0, d1) -> (0, 0)>
#map1 = affine_map<(d0, d1) -> (0)>
#map2 = affine_map<(d0, d1) -> (0, 0, 0)>
module attributes {stable_mosaic.version = 14 : i64} {
  func.func @agg_kernel(%arg0: i32, %arg1: i32, %arg2: memref<1x10000xi32, #tpu.memory_space<hbm>>, %arg3: memref<640000xi32, #tpu.memory_space<hbm>>, %arg4: memref<32x2x10000xf32, #tpu.memory_space<hbm>>, %arg5: memref<1x10000xi32, #tpu.memory_space<vmem>>, %arg6: memref<2x10000xf32, #tpu.memory_space<vmem>>, %arg7: memref<10000xi32, #tpu.memory_space<vmem>>, %arg8: memref<10000xi32, #tpu.memory_space<vmem>>, %arg9: memref<!tpu.dma_semaphore, #tpu.memory_space<semaphore_mem>>, %arg10: memref<!tpu.dma_semaphore, #tpu.memory_space<semaphore_mem>>, %arg11: memref<!tpu.dma_semaphore, #tpu.memory_space<semaphore_mem>>) attributes {dimension_semantics = [#tpu.dimension_semantics<core_parallel>, #tpu.dimension_semantics<subcore_parallel>], iteration_bounds = array<i64: 2, 16>, scalar_prefetch = 0 : i64, scratch_operands = 7 : i64, tpu.core_type = #tpu.core_type<sc_vector_subcore>, window_params = [{transform_indices = #map}, {transform_indices = #map1}, {transform_indices = #map2}]} {
    %mul3A = arith.constant 2 : i32
    %mul3A_0 = arith.muli %arg1, %mul3A : i32
    %add3A = arith.addi %mul3A_0, %arg0 : i32
    %mul3A_1 = arith.constant 10000 : i32
    %mul3A_2 = arith.muli %add3A, %mul3A_1 : i32
    %add3A_3 = arith.constant 320000 : i32
    %add3A_4 = arith.addi %add3A_3, %mul3A_2 : i32
    tpu.enqueue_dma source(%arg2 : memref<1x10000xi32, #tpu.memory_space<hbm>>) target(%arg5 : memref<1x10000xi32, #tpu.memory_space<vmem>>) target_semaphore(%arg9 : memref<!tpu.dma_semaphore, #tpu.memory_space<semaphore_mem>>)
    %dma_start3A = tpu.memref_slice %arg3[%mul3A_2] : memref<640000xi32, #tpu.memory_space<hbm>> -> memref<10000xi32, #tpu.memory_space<hbm>>
    %dma_start3A_5 = tpu.memref_slice %arg3[%mul3A_2] : memref<640000xi32, #tpu.memory_space<hbm>> -> memref<10000xi32, #tpu.memory_space<hbm>>
    tpu.enqueue_dma source(%dma_start3A_5 : memref<10000xi32, #tpu.memory_space<hbm>>) target(%arg7 : memref<10000xi32, #tpu.memory_space<vmem>>) target_semaphore(%arg10 : memref<!tpu.dma_semaphore, #tpu.memory_space<semaphore_mem>>)
    %dma_start3A_6 = tpu.memref_slice %arg3[%add3A_4] : memref<640000xi32, #tpu.memory_space<hbm>> -> memref<10000xi32, #tpu.memory_space<hbm>>
    %dma_start3A_7 = tpu.memref_slice %arg3[%add3A_4] : memref<640000xi32, #tpu.memory_space<hbm>> -> memref<10000xi32, #tpu.memory_space<hbm>>
    tpu.enqueue_dma source(%dma_start3A_7 : memref<10000xi32, #tpu.memory_space<hbm>>) target(%arg8 : memref<10000xi32, #tpu.memory_space<vmem>>) target_semaphore(%arg11 : memref<!tpu.dma_semaphore, #tpu.memory_space<semaphore_mem>>)
    %broadcast_in_dim3A = arith.constant 0.000000e+00 : f32
    %broadcast_in_dim3A_8 = vector.broadcast %broadcast_in_dim3A : f32 to vector<16xf32>
    %scan3A = arith.constant 0 : i32
    %scan3A_9 = arith.constant 0 : i32
    %scan3A_10 = arith.constant 624 : i32
    %scan3A_11 = arith.addi %scan3A_9, %scan3A_10 : i32
    %scan3A_12 = arith.constant 2 : i32
    %scan3A_13 = scf.for %scan3A_47 = %scan3A_9 to %scan3A_11 step %scan3A_12 iter_args(%scan3A_48 = %scan3A) -> (i32)  : i32 {
      %mul3A_49 = arith.constant 16 : i32
      %mul3A_50 = arith.muli %scan3A_47, %mul3A_49 : i32
      %swap3A_51 = arith.constant 0 : i32
      %swap3A_52 = arith.index_cast %swap3A_51 : i32 to index
      %swap3A_53 = arith.index_cast %mul3A_50 : i32 to index
      %swap3A_54 = tpu.vector_load %arg6[%swap3A_52, %swap3A_53] {strides = array<i32>} : memref<2x10000xf32, #tpu.memory_space<vmem>>, vector<16xf32>,
      tpu.vector_store %arg6[%swap3A_52, %swap3A_53], %broadcast_in_dim3A_8 {strides = array<i32>} : memref<2x10000xf32, #tpu.memory_space<vmem>>, vector<16xf32>,
      %mul3A_55 = arith.constant 16 : i32
      %mul3A_56 = arith.muli %scan3A_47, %mul3A_55 : i32
      %swap3A_57 = arith.constant 1 : i32
      %swap3A_58 = arith.index_cast %swap3A_57 : i32 to index
      %swap3A_59 = arith.index_cast %mul3A_56 : i32 to index
      %swap3A_60 = tpu.vector_load %arg6[%swap3A_58, %swap3A_59] {strides = array<i32>} : memref<2x10000xf32, #tpu.memory_space<vmem>>, vector<16xf32>,
      tpu.vector_store %arg6[%swap3A_58, %swap3A_59], %broadcast_in_dim3A_8 {strides = array<i32>} : memref<2x10000xf32, #tpu.memory_space<vmem>>, vector<16xf32>,
      %scan3A_61 = arith.constant 0 : i32
      %scan3A_62 = arith.constant 1 : i32
      %scan3A_63 = arith.addi %scan3A_47, %scan3A_62 : i32
      %mul3A_64 = arith.constant 16 : i32
      %mul3A_65 = arith.muli %scan3A_63, %mul3A_64 : i32
      %swap3A_66 = arith.constant 0 : i32
      %swap3A_67 = arith.index_cast %swap3A_66 : i32 to index
      %swap3A_68 = arith.index_cast %mul3A_65 : i32 to index
      %swap3A_69 = tpu.vector_load %arg6[%swap3A_67, %swap3A_68] {strides = array<i32>} : memref<2x10000xf32, #tpu.memory_space<vmem>>, vector<16xf32>,
      tpu.vector_store %arg6[%swap3A_67, %swap3A_68], %broadcast_in_dim3A_8 {strides = array<i32>} : memref<2x10000xf32, #tpu.memory_space<vmem>>, vector<16xf32>,
      %mul3A_70 = arith.constant 16 : i32
      %mul3A_71 = arith.muli %scan3A_63, %mul3A_70 : i32
      %swap3A_72 = arith.constant 1 : i32
      %swap3A_73 = arith.index_cast %swap3A_72 : i32 to index
      %swap3A_74 = arith.index_cast %mul3A_71 : i32 to index
      %swap3A_75 = tpu.vector_load %arg6[%swap3A_73, %swap3A_74] {strides = array<i32>} : memref<2x10000xf32, #tpu.memory_space<vmem>>, vector<16xf32>,
      tpu.vector_store %arg6[%swap3A_73, %swap3A_74], %broadcast_in_dim3A_8 {strides = array<i32>} : memref<2x10000xf32, #tpu.memory_space<vmem>>, vector<16xf32>,
      %scan3A_76 = arith.constant 0 : i32
      scf.yield %scan3A_76 : i32
    }
    %scan3A_14 = arith.constant 624 : i32
    %scan3A_15 = arith.addi %scan3A_9, %scan3A_14 : i32
    %mul3A_16 = arith.constant 16 : i32
    %mul3A_17 = arith.muli %scan3A_15, %mul3A_16 : i32
    %swap3A = arith.constant 0 : i32
    %swap3A_18 = arith.index_cast %swap3A : i32 to index
    %swap3A_19 = arith.index_cast %mul3A_17 : i32 to index
    %swap3A_20 = tpu.vector_load %arg6[%swap3A_18, %swap3A_19] {strides = array<i32>} : memref<2x10000xf32, #tpu.memory_space<vmem>>, vector<16xf32>,
    tpu.vector_store %arg6[%swap3A_18, %swap3A_19], %broadcast_in_dim3A_8 {strides = array<i32>} : memref<2x10000xf32, #tpu.memory_space<vmem>>, vector<16xf32>,
    %mul3A_21 = arith.constant 16 : i32
    %mul3A_22 = arith.muli %scan3A_15, %mul3A_21 : i32
    %swap3A_23 = arith.constant 1 : i32
    %swap3A_24 = arith.index_cast %swap3A_23 : i32 to index
    %swap3A_25 = arith.index_cast %mul3A_22 : i32 to index
    %swap3A_26 = tpu.vector_load %arg6[%swap3A_24, %swap3A_25] {strides = array<i32>} : memref<2x10000xf32, #tpu.memory_space<vmem>>, vector<16xf32>,
    tpu.vector_store %arg6[%swap3A_24, %swap3A_25], %broadcast_in_dim3A_8 {strides = array<i32>} : memref<2x10000xf32, #tpu.memory_space<vmem>>, vector<16xf32>,
    %scan3A_27 = arith.constant 0 : i32
    %scan3A_28 = arith.constant 625 : i32
    tpu.wait_dma2 semaphore(%arg9 : memref<!tpu.dma_semaphore, #tpu.memory_space<semaphore_mem>>) src(%arg2 : memref<1x10000xi32, #tpu.memory_space<hbm>>) dst(%arg5 : memref<1x10000xi32, #tpu.memory_space<vmem>>)
    %dma_wait3A = tpu.memref_slice %arg3[%mul3A_2] : memref<640000xi32, #tpu.memory_space<hbm>> -> memref<10000xi32, #tpu.memory_space<hbm>>
    %dma_wait3A_29 = tpu.memref_slice %arg3[%mul3A_2] : memref<640000xi32, #tpu.memory_space<hbm>> -> memref<10000xi32, #tpu.memory_space<hbm>>
    tpu.wait_dma2 semaphore(%arg10 : memref<!tpu.dma_semaphore, #tpu.memory_space<semaphore_mem>>) src(%dma_wait3A_29 : memref<10000xi32, #tpu.memory_space<hbm>>) dst(%arg7 : memref<10000xi32, #tpu.memory_space<vmem>>)
    %dma_wait3A_30 = tpu.memref_slice %arg3[%add3A_4] : memref<640000xi32, #tpu.memory_space<hbm>> -> memref<10000xi32, #tpu.memory_space<hbm>>
    %dma_wait3A_31 = tpu.memref_slice %arg3[%add3A_4] : memref<640000xi32, #tpu.memory_space<hbm>> -> memref<10000xi32, #tpu.memory_space<hbm>>
    tpu.wait_dma2 semaphore(%arg11 : memref<!tpu.dma_semaphore, #tpu.memory_space<semaphore_mem>>) src(%dma_wait3A_31 : memref<10000xi32, #tpu.memory_space<hbm>>) dst(%arg8 : memref<10000xi32, #tpu.memory_space<vmem>>)
    %broadcast_in_dim3A_32 = arith.constant 0 : i32
    %broadcast_in_dim3A_33 = vector.broadcast %broadcast_in_dim3A_32 : i32 to vector<16xi32>
    %broadcast_in_dim3A_34 = arith.constant 0 : i32
    %broadcast_in_dim3A_35 = vector.broadcast %broadcast_in_dim3A_34 : i32 to vector<16xi32>
    %broadcast_in_dim3A_36 = arith.constant 1 : i32
    %broadcast_in_dim3A_37 = vector.broadcast %broadcast_in_dim3A_36 : i32 to vector<16xi32>
    %broadcast_in_dim3A_38 = arith.constant -65536 : i32
    %broadcast_in_dim3A_39 = vector.broadcast %broadcast_in_dim3A_38 : i32 to vector<16xi32>
    %scan3A_40 = arith.constant 0 : i32
    %scan3A_41 = arith.constant 0 : i32
    %scan3A_42 = arith.constant 125 : i32
    %scan3A_43 = arith.addi %scan3A_41, %scan3A_42 : i32
    %scan3A_44 = arith.constant 1 : i32
    %scan3A_45 = scf.for %scan3A_47 = %scan3A_41 to %scan3A_43 step %scan3A_44 iter_args(%scan3A_48 = %scan3A_40) -> (i32)  : i32 {
      %mul3A_49 = arith.constant 5 : i32
      %mul3A_50 = arith.muli %scan3A_47, %mul3A_49 : i32
      %add3A_51 = arith.constant 0 : i32
      %add3A_52 = arith.addi %mul3A_50, %add3A_51 : i32
      %mul3A_53 = arith.constant 16 : i32
      %mul3A_54 = arith.muli %add3A_52, %mul3A_53 : i32
      %get3A = arith.index_cast %mul3A_54 : i32 to index
      %get3A_55 = tpu.vector_load %arg7[%get3A] {strides = array<i32>} : memref<10000xi32, #tpu.memory_space<vmem>>, vector<16xi32>,
      %get3A_56 = arith.index_cast %mul3A_54 : i32 to index
      %get3A_57 = tpu.vector_load %arg8[%get3A_56] {strides = array<i32>} : memref<10000xi32, #tpu.memory_space<vmem>>, vector<16xi32>,
      %gather3A = tpu.vector_load_idx %arg5[%broadcast_in_dim3A_33, %get3A_55] : memref<1x10000xi32, #tpu.memory_space<vmem>>[vector<16xi32>, vector<16xi32>], vector<16xi32>,
      %shift_left3A = arith.constant 16 : i32
      %shift_left3A_58 = vector.broadcast %shift_left3A : i32 to vector<16xi32>
      %shift_left3A_59 = arith.shli %gather3A, %shift_left3A_58 : vector<16xi32>
      %bitcast3A = vector.bitcast %shift_left3A_59 : vector<16xi32> to vector<16xf32>
      %and3A = arith.andi %gather3A, %broadcast_in_dim3A_39 : vector<16xi32>
      %bitcast3A_60 = vector.bitcast %and3A : vector<16xi32> to vector<16xf32>
      tpu.vector_store_idx %arg6[%broadcast_in_dim3A_35, %get3A_57], %bitcast3A {add = true} : memref<2x10000xf32, #tpu.memory_space<vmem>>[vector<16xi32>, vector<16xi32>], vector<16xf32>,
      tpu.vector_store_idx %arg6[%broadcast_in_dim3A_37, %get3A_57], %bitcast3A_60 {add = true} : memref<2x10000xf32, #tpu.memory_space<vmem>>[vector<16xi32>, vector<16xi32>], vector<16xf32>,
      %mul3A_61 = arith.constant 5 : i32
      %mul3A_62 = arith.muli %scan3A_47, %mul3A_61 : i32
      %add3A_63 = arith.constant 1 : i32
      %add3A_64 = arith.addi %mul3A_62, %add3A_63 : i32
      %mul3A_65 = arith.constant 16 : i32
      %mul3A_66 = arith.muli %add3A_64, %mul3A_65 : i32
      %get3A_67 = arith.index_cast %mul3A_66 : i32 to index
      %get3A_68 = tpu.vector_load %arg7[%get3A_67] {strides = array<i32>} : memref<10000xi32, #tpu.memory_space<vmem>>, vector<16xi32>,
      %get3A_69 = arith.index_cast %mul3A_66 : i32 to index
      %get3A_70 = tpu.vector_load %arg8[%get3A_69] {strides = array<i32>} : memref<10000xi32, #tpu.memory_space<vmem>>, vector<16xi32>,
      %gather3A_71 = tpu.vector_load_idx %arg5[%broadcast_in_dim3A_33, %get3A_68] : memref<1x10000xi32, #tpu.memory_space<vmem>>[vector<16xi32>, vector<16xi32>], vector<16xi32>,
      %shift_left3A_72 = arith.constant 16 : i32
      %shift_left3A_73 = vector.broadcast %shift_left3A_72 : i32 to vector<16xi32>
      %shift_left3A_74 = arith.shli %gather3A_71, %shift_left3A_73 : vector<16xi32>
      %bitcast3A_75 = vector.bitcast %shift_left3A_74 : vector<16xi32> to vector<16xf32>
      %and3A_76 = arith.andi %gather3A_71, %broadcast_in_dim3A_39 : vector<16xi32>
      %bitcast3A_77 = vector.bitcast %and3A_76 : vector<16xi32> to vector<16xf32>
      tpu.vector_store_idx %arg6[%broadcast_in_dim3A_35, %get3A_70], %bitcast3A_75 {add = true} : memref<2x10000xf32, #tpu.memory_space<vmem>>[vector<16xi32>, vector<16xi32>], vector<16xf32>,
      tpu.vector_store_idx %arg6[%broadcast_in_dim3A_37, %get3A_70], %bitcast3A_77 {add = true} : memref<2x10000xf32, #tpu.memory_space<vmem>>[vector<16xi32>, vector<16xi32>], vector<16xf32>,
      %mul3A_78 = arith.constant 5 : i32
      %mul3A_79 = arith.muli %scan3A_47, %mul3A_78 : i32
      %add3A_80 = arith.constant 2 : i32
      %add3A_81 = arith.addi %mul3A_79, %add3A_80 : i32
      %mul3A_82 = arith.constant 16 : i32
      %mul3A_83 = arith.muli %add3A_81, %mul3A_82 : i32
      %get3A_84 = arith.index_cast %mul3A_83 : i32 to index
      %get3A_85 = tpu.vector_load %arg7[%get3A_84] {strides = array<i32>} : memref<10000xi32, #tpu.memory_space<vmem>>, vector<16xi32>,
      %get3A_86 = arith.index_cast %mul3A_83 : i32 to index
      %get3A_87 = tpu.vector_load %arg8[%get3A_86] {strides = array<i32>} : memref<10000xi32, #tpu.memory_space<vmem>>, vector<16xi32>,
      %gather3A_88 = tpu.vector_load_idx %arg5[%broadcast_in_dim3A_33, %get3A_85] : memref<1x10000xi32, #tpu.memory_space<vmem>>[vector<16xi32>, vector<16xi32>], vector<16xi32>,
      %shift_left3A_89 = arith.constant 16 : i32
      %shift_left3A_90 = vector.broadcast %shift_left3A_89 : i32 to vector<16xi32>
      %shift_left3A_91 = arith.shli %gather3A_88, %shift_left3A_90 : vector<16xi32>
      %bitcast3A_92 = vector.bitcast %shift_left3A_91 : vector<16xi32> to vector<16xf32>
      %and3A_93 = arith.andi %gather3A_88, %broadcast_in_dim3A_39 : vector<16xi32>
      %bitcast3A_94 = vector.bitcast %and3A_93 : vector<16xi32> to vector<16xf32>
      tpu.vector_store_idx %arg6[%broadcast_in_dim3A_35, %get3A_87], %bitcast3A_92 {add = true} : memref<2x10000xf32, #tpu.memory_space<vmem>>[vector<16xi32>, vector<16xi32>], vector<16xf32>,
      tpu.vector_store_idx %arg6[%broadcast_in_dim3A_37, %get3A_87], %bitcast3A_94 {add = true} : memref<2x10000xf32, #tpu.memory_space<vmem>>[vector<16xi32>, vector<16xi32>], vector<16xf32>,
      %mul3A_95 = arith.constant 5 : i32
      %mul3A_96 = arith.muli %scan3A_47, %mul3A_95 : i32
      %add3A_97 = arith.constant 3 : i32
      %add3A_98 = arith.addi %mul3A_96, %add3A_97 : i32
      %mul3A_99 = arith.constant 16 : i32
      %mul3A_100 = arith.muli %add3A_98, %mul3A_99 : i32
      %get3A_101 = arith.index_cast %mul3A_100 : i32 to index
      %get3A_102 = tpu.vector_load %arg7[%get3A_101] {strides = array<i32>} : memref<10000xi32, #tpu.memory_space<vmem>>, vector<16xi32>,
      %get3A_103 = arith.index_cast %mul3A_100 : i32 to index
      %get3A_104 = tpu.vector_load %arg8[%get3A_103] {strides = array<i32>} : memref<10000xi32, #tpu.memory_space<vmem>>, vector<16xi32>,
      %gather3A_105 = tpu.vector_load_idx %arg5[%broadcast_in_dim3A_33, %get3A_102] : memref<1x10000xi32, #tpu.memory_space<vmem>>[vector<16xi32>, vector<16xi32>], vector<16xi32>,
      %shift_left3A_106 = arith.constant 16 : i32
      %shift_left3A_107 = vector.broadcast %shift_left3A_106 : i32 to vector<16xi32>
      %shift_left3A_108 = arith.shli %gather3A_105, %shift_left3A_107 : vector<16xi32>
      %bitcast3A_109 = vector.bitcast %shift_left3A_108 : vector<16xi32> to vector<16xf32>
      %and3A_110 = arith.andi %gather3A_105, %broadcast_in_dim3A_39 : vector<16xi32>
      %bitcast3A_111 = vector.bitcast %and3A_110 : vector<16xi32> to vector<16xf32>
      tpu.vector_store_idx %arg6[%broadcast_in_dim3A_35, %get3A_104], %bitcast3A_109 {add = true} : memref<2x10000xf32, #tpu.memory_space<vmem>>[vector<16xi32>, vector<16xi32>], vector<16xf32>,
      tpu.vector_store_idx %arg6[%broadcast_in_dim3A_37, %get3A_104], %bitcast3A_111 {add = true} : memref<2x10000xf32, #tpu.memory_space<vmem>>[vector<16xi32>, vector<16xi32>], vector<16xf32>,
      %mul3A_112 = arith.constant 5 : i32
      %mul3A_113 = arith.muli %scan3A_47, %mul3A_112 : i32
      %add3A_114 = arith.constant 4 : i32
      %add3A_115 = arith.addi %mul3A_113, %add3A_114 : i32
      %mul3A_116 = arith.constant 16 : i32
      %mul3A_117 = arith.muli %add3A_115, %mul3A_116 : i32
      %get3A_118 = arith.index_cast %mul3A_117 : i32 to index
      %get3A_119 = tpu.vector_load %arg7[%get3A_118] {strides = array<i32>} : memref<10000xi32, #tpu.memory_space<vmem>>, vector<16xi32>,
      %get3A_120 = arith.index_cast %mul3A_117 : i32 to index
      %get3A_121 = tpu.vector_load %arg8[%get3A_120] {strides = array<i32>} : memref<10000xi32, #tpu.memory_space<vmem>>, vector<16xi32>,
      %gather3A_122 = tpu.vector_load_idx %arg5[%broadcast_in_dim3A_33, %get3A_119] : memref<1x10000xi32, #tpu.memory_space<vmem>>[vector<16xi32>, vector<16xi32>], vector<16xi32>,
      %shift_left3A_123 = arith.constant 16 : i32
      %shift_left3A_124 = vector.broadcast %shift_left3A_123 : i32 to vector<16xi32>
      %shift_left3A_125 = arith.shli %gather3A_122, %shift_left3A_124 : vector<16xi32>
      %bitcast3A_126 = vector.bitcast %shift_left3A_125 : vector<16xi32> to vector<16xf32>
      %and3A_127 = arith.andi %gather3A_122, %broadcast_in_dim3A_39 : vector<16xi32>
      %bitcast3A_128 = vector.bitcast %and3A_127 : vector<16xi32> to vector<16xf32>
      tpu.vector_store_idx %arg6[%broadcast_in_dim3A_35, %get3A_121], %bitcast3A_126 {add = true} : memref<2x10000xf32, #tpu.memory_space<vmem>>[vector<16xi32>, vector<16xi32>], vector<16xf32>,
      tpu.vector_store_idx %arg6[%broadcast_in_dim3A_37, %get3A_121], %bitcast3A_128 {add = true} : memref<2x10000xf32, #tpu.memory_space<vmem>>[vector<16xi32>, vector<16xi32>], vector<16xf32>,
      %scan3A_129 = arith.constant 0 : i32
      scf.yield %scan3A_129 : i32
    }
    %scan3A_46 = arith.constant 125 : i32
    "tpu.region"() ({
      %run_scoped3A = tpu.sem_alloc : memref<!tpu.dma_semaphore, #tpu.memory_space<semaphore_mem>>
      %dma_start3A_47 = arith.constant 0 : i32
      %dma_start3A_48 = arith.constant 0 : i32
      %dma_start3A_49 = tpu.memref_slice %arg4[%add3A, %dma_start3A_47, %dma_start3A_48] : memref<32x2x10000xf32, #tpu.memory_space<hbm>> -> memref<1x2x10000xf32, #tpu.memory_space<hbm>>
      %dma_start3A_50 = tpu.memref_squeeze %dma_start3A_49 : memref<1x2x10000xf32, #tpu.memory_space<hbm>> -> memref<2x10000xf32, #tpu.memory_space<hbm>>
      %dma_start3A_51 = arith.constant 0 : i32
      %dma_start3A_52 = arith.constant 0 : i32
      %dma_start3A_53 = tpu.memref_slice %arg4[%add3A, %dma_start3A_51, %dma_start3A_52] : memref<32x2x10000xf32, #tpu.memory_space<hbm>> -> memref<1x2x10000xf32, #tpu.memory_space<hbm>>
      %dma_start3A_54 = tpu.memref_squeeze %dma_start3A_53 : memref<1x2x10000xf32, #tpu.memory_space<hbm>> -> memref<2x10000xf32, #tpu.memory_space<hbm>>
      tpu.enqueue_dma source(%arg6 : memref<2x10000xf32, #tpu.memory_space<vmem>>) target(%dma_start3A_54 : memref<2x10000xf32, #tpu.memory_space<hbm>>) target_semaphore(%run_scoped3A : memref<!tpu.dma_semaphore, #tpu.memory_space<semaphore_mem>>)
      %dma_wait3A_55 = arith.constant 0 : i32
      %dma_wait3A_56 = arith.constant 0 : i32
      %dma_wait3A_57 = tpu.memref_slice %arg4[%add3A, %dma_wait3A_55, %dma_wait3A_56] : memref<32x2x10000xf32, #tpu.memory_space<hbm>> -> memref<1x2x10000xf32, #tpu.memory_space<hbm>>
      %dma_wait3A_58 = tpu.memref_squeeze %dma_wait3A_57 : memref<1x2x10000xf32, #tpu.memory_space<hbm>> -> memref<2x10000xf32, #tpu.memory_space<hbm>>
      %dma_wait3A_59 = arith.constant 0 : i32
      %dma_wait3A_60 = arith.constant 0 : i32
      %dma_wait3A_61 = tpu.memref_slice %arg4[%add3A, %dma_wait3A_59, %dma_wait3A_60] : memref<32x2x10000xf32, #tpu.memory_space<hbm>> -> memref<1x2x10000xf32, #tpu.memory_space<hbm>>
      %dma_wait3A_62 = tpu.memref_squeeze %dma_wait3A_61 : memref<1x2x10000xf32, #tpu.memory_space<hbm>> -> memref<2x10000xf32, #tpu.memory_space<hbm>>
      tpu.wait_dma2 semaphore(%run_scoped3A : memref<!tpu.dma_semaphore, #tpu.memory_space<semaphore_mem>>) src(%arg6 : memref<2x10000xf32, #tpu.memory_space<vmem>>) dst(%dma_wait3A_62 : memref<2x10000xf32, #tpu.memory_space<hbm>>)
      tpu.yield
    }) : () -> ()
    return
  }
}

module attributes {stable_mosaic.version = 14 : i64} {
  func.func @_dis_body(%arg0: memref<32x10000xf32, #tpu.memory_space<vmem>>, %arg1: memref<4x10000xf32, #tpu.memory_space<vmem>>, %arg2: memref<10000xf32, #tpu.memory_space<vmem>>, %arg3: memref<4x10000xf32, #tpu.memory_space<vmem>>, %arg4: memref<2x10000xi32, #tpu.memory_space<vmem>>) attributes {dimension_semantics = [], scalar_prefetch = 0 : i64, scratch_operands = 0 : i64, tpu.core_type = #tpu.core_type<tc>} {
    %get3A = arith.constant 0 : index
    %get3A_0 = arith.constant 0 : index
    %get3A_1 = vector.load %arg0[%get3A, %get3A_0] : memref<32x10000xf32, #tpu.memory_space<vmem>>, vector<32x10000xf32>
    %reduce_sum3A = arith.constant dense<0.000000e+00> : vector<10000xf32>
    %reduce_sum3A_2 = vector.multi_reduction <add>, %get3A_1, %reduce_sum3A [0] : vector<32x10000xf32> to vector<10000xf32>
    %add3A = arith.constant 1.000000e+00 : f32
    %add3A_3 = vector.broadcast %add3A : f32 to vector<10000xf32>
    %add3A_4 = arith.addf %reduce_sum3A_2, %add3A_3 : vector<10000xf32>
    %rsqrt3A = math.rsqrt %add3A_4 : vector<10000xf32>
    %swap3A = arith.constant 0 : index
    %swap3A_5 = vector.load %arg2[%swap3A] : memref<10000xf32, #tpu.memory_space<vmem>>, vector<10000xf32>
    tpu.vector_store %arg2[%swap3A], %rsqrt3A {strides = array<i32>} : memref<10000xf32, #tpu.memory_space<vmem>>, vector<10000xf32>,
    %get3A_6 = arith.constant 0 : index
    %get3A_7 = arith.constant 0 : index
    %get3A_8 = vector.load %arg1[%get3A_6, %get3A_7] : memref<4x10000xf32, #tpu.memory_space<vmem>>, vector<4x10000xf32>
    %broadcast_in_dim3A = vector.shape_cast %rsqrt3A : vector<10000xf32> to vector<1x10000xf32>
    %mul3A = vector.broadcast %broadcast_in_dim3A : vector<1x10000xf32> to vector<4x10000xf32>
    %mul3A_9 = arith.mulf %get3A_8, %mul3A : vector<4x10000xf32>
    %swap3A_10 = arith.constant 0 : index
    %swap3A_11 = arith.constant 0 : index
    %swap3A_12 = vector.load %arg3[%swap3A_10, %swap3A_11] : memref<4x10000xf32, #tpu.memory_space<vmem>>, vector<4x10000xf32>
    tpu.vector_store %arg3[%swap3A_10, %swap3A_11], %mul3A_9 {strides = array<i32>} : memref<4x10000xf32, #tpu.memory_space<vmem>>, vector<4x10000xf32>,
    %bitcast_convert_type3A = tpu.bitcast %mul3A_9 : vector<4x10000xf32> -> vector<4x10000xi32>
    %add3A_13 = arith.constant 32768 : i32
    %add3A_14 = vector.broadcast %add3A_13 : i32 to vector<4x10000xi32>
    %add3A_15 = arith.addi %bitcast_convert_type3A, %add3A_14 : vector<4x10000xi32>
    %slice3A = vector.extract_strided_slice %add3A_15 {offsets = [0, 0], sizes = [1, 10000], strides = [1, 1]} : vector<4x10000xi32> to vector<1x10000xi32>
    %squeeze3A = vector.shape_cast %slice3A : vector<1x10000xi32> to vector<10000xi32>
    %shift_right_logical3A = arith.constant 16 : i32
    %shift_right_logical3A_16 = vector.broadcast %shift_right_logical3A : i32 to vector<10000xi32>
    %shift_right_logical3A_17 = arith.shrui %squeeze3A, %shift_right_logical3A_16 : vector<10000xi32>
    %slice3A_18 = vector.extract_strided_slice %add3A_15 {offsets = [1, 0], sizes = [1, 10000], strides = [1, 1]} : vector<4x10000xi32> to vector<1x10000xi32>
    %squeeze3A_19 = vector.shape_cast %slice3A_18 : vector<1x10000xi32> to vector<10000xi32>
    %and3A = arith.constant -65536 : i32
    %and3A_20 = vector.broadcast %and3A : i32 to vector<10000xi32>
    %and3A_21 = arith.andi %squeeze3A_19, %and3A_20 : vector<10000xi32>
    %or3A = arith.ori %shift_right_logical3A_17, %and3A_21 : vector<10000xi32>
    %swap3A_22 = arith.constant 0 : index
    %swap3A_23 = arith.constant 0 : index
    %swap3A_24 = vector.load %arg4[%swap3A_22, %swap3A_23] : memref<2x10000xi32, #tpu.memory_space<vmem>>, vector<1x10000xi32>
    %swap3A_25 = vector.shape_cast %swap3A_24 : vector<1x10000xi32> to vector<10000xi32>
    %swap3A_26 = vector.shape_cast %or3A : vector<10000xi32> to vector<1x10000xi32>
    tpu.vector_store %arg4[%swap3A_22, %swap3A_23], %swap3A_26 {strides = array<i32>} : memref<2x10000xi32, #tpu.memory_space<vmem>>, vector<1x10000xi32>,
    %slice3A_27 = vector.extract_strided_slice %add3A_15 {offsets = [2, 0], sizes = [1, 10000], strides = [1, 1]} : vector<4x10000xi32> to vector<1x10000xi32>
    %squeeze3A_28 = vector.shape_cast %slice3A_27 : vector<1x10000xi32> to vector<10000xi32>
    %shift_right_logical3A_29 = arith.constant 16 : i32
    %shift_right_logical3A_30 = vector.broadcast %shift_right_logical3A_29 : i32 to vector<10000xi32>
    %shift_right_logical3A_31 = arith.shrui %squeeze3A_28, %shift_right_logical3A_30 : vector<10000xi32>
    %slice3A_32 = vector.extract_strided_slice %add3A_15 {offsets = [3, 0], sizes = [1, 10000], strides = [1, 1]} : vector<4x10000xi32> to vector<1x10000xi32>
    %squeeze3A_33 = vector.shape_cast %slice3A_32 : vector<1x10000xi32> to vector<10000xi32>
    %and3A_34 = arith.constant -65536 : i32
    %and3A_35 = vector.broadcast %and3A_34 : i32 to vector<10000xi32>
    %and3A_36 = arith.andi %squeeze3A_33, %and3A_35 : vector<10000xi32>
    %or3A_37 = arith.ori %shift_right_logical3A_31, %and3A_36 : vector<10000xi32>
    %swap3A_38 = arith.constant 1 : index
    %swap3A_39 = arith.constant 0 : index
    %swap3A_40 = vector.load %arg4[%swap3A_38, %swap3A_39] : memref<2x10000xi32, #tpu.memory_space<vmem>>, vector<1x10000xi32>
    %swap3A_41 = vector.shape_cast %swap3A_40 : vector<1x10000xi32> to vector<10000xi32>
    %swap3A_42 = vector.shape_cast %or3A_37 : vector<10000xi32> to vector<1x10000xi32>
    tpu.vector_store %arg4[%swap3A_38, %swap3A_39], %swap3A_42 {strides = array<i32>} : memref<2x10000xi32, #tpu.memory_space<vmem>>, vector<1x10000xi32>,
    return
  }
}

module attributes {stable_mosaic.version = 14 : i64} {
  func.func @_mm_body(%arg0: memref<10000x128xf32, #tpu.memory_space<vmem>>, %arg1: memref<128x4xf32, #tpu.memory_space<vmem>>, %arg2: memref<4x10000xf32, #tpu.memory_space<vmem>>) attributes {dimension_semantics = [], scalar_prefetch = 0 : i64, scratch_operands = 0 : i64, tpu.core_type = #tpu.core_type<tc>} {
    %get3A = arith.constant 0 : index
    %get3A_0 = arith.constant 0 : index
    %get3A_1 = vector.load %arg1[%get3A, %get3A_0] : memref<128x4xf32, #tpu.memory_space<vmem>>, vector<128x4xf32>
    %get3A_2 = arith.constant 0 : index
    %get3A_3 = arith.constant 0 : index
    %get3A_4 = vector.load %arg0[%get3A_2, %get3A_3] : memref<10000x128xf32, #tpu.memory_space<vmem>>, vector<10000x128xf32>
    %dot_general3A = arith.constant dense<0.000000e+00> : vector<4x10000xf32>
    %dot_general3A_5 = tpu.matmul %get3A_1, %get3A_4, %dot_general3A {dimension_numbers = #tpu.dot_dimension_numbers<[0], [1], [1], [0], [0, 1, 1, 0], [], []>, transpose_lhs_hint = false} : vector<128x4xf32>, vector<10000x128xf32>, vector<4x10000xf32> -> vector<4x10000xf32>
    %swap3A = arith.constant 0 : index
    %swap3A_6 = arith.constant 0 : index
    %swap3A_7 = vector.load %arg2[%swap3A, %swap3A_6] : memref<4x10000xf32, #tpu.memory_space<vmem>>, vector<4x10000xf32>
    tpu.vector_store %arg2[%swap3A, %swap3A_6], %dot_general3A_5 {strides = array<i32>} : memref<4x10000xf32, #tpu.memory_space<vmem>>, vector<4x10000xf32>,
    return
  }
}

module attributes {stable_mosaic.version = 14 : i64} {
  func.func @_post_body(%arg0: memref<32x4x10000xf32, #tpu.memory_space<vmem>>, %arg1: memref<4x10000xf32, #tpu.memory_space<vmem>>, %arg2: memref<10000xf32, #tpu.memory_space<vmem>>, %arg3: memref<4x1xf32, #tpu.memory_space<vmem>>, %arg4: memref<4x4xf32, #tpu.memory_space<vmem>>, %arg5: memref<4x10000xf32, #tpu.memory_space<vmem>>, %arg6: memref<2x10000xi32, #tpu.memory_space<vmem>>) attributes {dimension_semantics = [], scalar_prefetch = 0 : i64, scratch_operands = 0 : i64, tpu.core_type = #tpu.core_type<tc>} {
    %get3A = arith.constant 0 : index
    %get3A_0 = vector.load %arg2[%get3A] : memref<10000xf32, #tpu.memory_space<vmem>>, vector<10000xf32>
    %get3A_1 = arith.constant 0 : index
    %get3A_2 = arith.constant 0 : index
    %get3A_3 = arith.constant 0 : index
    %get3A_4 = vector.load %arg0[%get3A_1, %get3A_2, %get3A_3] : memref<32x4x10000xf32, #tpu.memory_space<vmem>>, vector<32x4x10000xf32>
    %reduce_sum3A = arith.constant dense<0.000000e+00> : vector<4x10000xf32>
    %reduce_sum3A_5 = vector.multi_reduction <add>, %get3A_4, %reduce_sum3A [0] : vector<32x4x10000xf32> to vector<4x10000xf32>
    %get3A_6 = arith.constant 0 : index
    %get3A_7 = arith.constant 0 : index
    %get3A_8 = vector.load %arg1[%get3A_6, %get3A_7] : memref<4x10000xf32, #tpu.memory_space<vmem>>, vector<4x10000xf32>
    %add3A = arith.addf %reduce_sum3A_5, %get3A_8 : vector<4x10000xf32>
    %broadcast_in_dim3A = vector.shape_cast %get3A_0 : vector<10000xf32> to vector<1x10000xf32>
    %mul3A = vector.broadcast %broadcast_in_dim3A : vector<1x10000xf32> to vector<4x10000xf32>
    %mul3A_9 = arith.mulf %mul3A, %add3A : vector<4x10000xf32>
    %get3A_10 = arith.constant 0 : index
    %get3A_11 = arith.constant 0 : index
    %get3A_12 = vector.load %arg3[%get3A_10, %get3A_11] : memref<4x1xf32, #tpu.memory_space<vmem>>, vector<4x1xf32>
    %add3A_13 = vector.broadcast %get3A_12 : vector<4x1xf32> to vector<4x10000xf32>
    %add3A_14 = arith.addf %mul3A_9, %add3A_13 : vector<4x10000xf32>
    %tanh3A = math.tanh %add3A_14 : vector<4x10000xf32>
    %get3A_15 = arith.constant 0 : index
    %get3A_16 = arith.constant 0 : index
    %get3A_17 = vector.load %arg4[%get3A_15, %get3A_16] : memref<4x4xf32, #tpu.memory_space<vmem>>, vector<4x4xf32>
    %dot_general3A = arith.constant dense<0.000000e+00> : vector<4x10000xf32>
    %dot_general3A_18 = tpu.matmul %get3A_17, %tanh3A, %dot_general3A {dimension_numbers = #tpu.dot_dimension_numbers<[0], [0], [1], [1], [0, 1, 1, 1], [], []>, transpose_lhs_hint = false} : vector<4x4xf32>, vector<4x10000xf32>, vector<4x10000xf32> -> vector<4x10000xf32>
    %broadcast_in_dim3A_19 = vector.shape_cast %get3A_0 : vector<10000xf32> to vector<1x10000xf32>
    %mul3A_20 = vector.broadcast %broadcast_in_dim3A_19 : vector<1x10000xf32> to vector<4x10000xf32>
    %mul3A_21 = arith.mulf %mul3A_20, %dot_general3A_18 : vector<4x10000xf32>
    %swap3A = arith.constant 0 : index
    %swap3A_22 = arith.constant 0 : index
    %swap3A_23 = vector.load %arg5[%swap3A, %swap3A_22] : memref<4x10000xf32, #tpu.memory_space<vmem>>, vector<4x10000xf32>
    tpu.vector_store %arg5[%swap3A, %swap3A_22], %mul3A_21 {strides = array<i32>} : memref<4x10000xf32, #tpu.memory_space<vmem>>, vector<4x10000xf32>,
    %bitcast_convert_type3A = tpu.bitcast %mul3A_21 : vector<4x10000xf32> -> vector<4x10000xi32>
    %add3A_24 = arith.constant 32768 : i32
    %add3A_25 = vector.broadcast %add3A_24 : i32 to vector<4x10000xi32>
    %add3A_26 = arith.addi %bitcast_convert_type3A, %add3A_25 : vector<4x10000xi32>
    %slice3A = vector.extract_strided_slice %add3A_26 {offsets = [0, 0], sizes = [1, 10000], strides = [1, 1]} : vector<4x10000xi32> to vector<1x10000xi32>
    %squeeze3A = vector.shape_cast %slice3A : vector<1x10000xi32> to vector<10000xi32>
    %shift_right_logical3A = arith.constant 16 : i32
    %shift_right_logical3A_27 = vector.broadcast %shift_right_logical3A : i32 to vector<10000xi32>
    %shift_right_logical3A_28 = arith.shrui %squeeze3A, %shift_right_logical3A_27 : vector<10000xi32>
    %slice3A_29 = vector.extract_strided_slice %add3A_26 {offsets = [1, 0], sizes = [1, 10000], strides = [1, 1]} : vector<4x10000xi32> to vector<1x10000xi32>
    %squeeze3A_30 = vector.shape_cast %slice3A_29 : vector<1x10000xi32> to vector<10000xi32>
    %and3A = arith.constant -65536 : i32
    %and3A_31 = vector.broadcast %and3A : i32 to vector<10000xi32>
    %and3A_32 = arith.andi %squeeze3A_30, %and3A_31 : vector<10000xi32>
    %or3A = arith.ori %shift_right_logical3A_28, %and3A_32 : vector<10000xi32>
    %swap3A_33 = arith.constant 0 : index
    %swap3A_34 = arith.constant 0 : index
    %swap3A_35 = vector.load %arg6[%swap3A_33, %swap3A_34] : memref<2x10000xi32, #tpu.memory_space<vmem>>, vector<1x10000xi32>
    %swap3A_36 = vector.shape_cast %swap3A_35 : vector<1x10000xi32> to vector<10000xi32>
    %swap3A_37 = vector.shape_cast %or3A : vector<10000xi32> to vector<1x10000xi32>
    tpu.vector_store %arg6[%swap3A_33, %swap3A_34], %swap3A_37 {strides = array<i32>} : memref<2x10000xi32, #tpu.memory_space<vmem>>, vector<1x10000xi32>,
    %slice3A_38 = vector.extract_strided_slice %add3A_26 {offsets = [2, 0], sizes = [1, 10000], strides = [1, 1]} : vector<4x10000xi32> to vector<1x10000xi32>
    %squeeze3A_39 = vector.shape_cast %slice3A_38 : vector<1x10000xi32> to vector<10000xi32>
    %shift_right_logical3A_40 = arith.constant 16 : i32
    %shift_right_logical3A_41 = vector.broadcast %shift_right_logical3A_40 : i32 to vector<10000xi32>
    %shift_right_logical3A_42 = arith.shrui %squeeze3A_39, %shift_right_logical3A_41 : vector<10000xi32>
    %slice3A_43 = vector.extract_strided_slice %add3A_26 {offsets = [3, 0], sizes = [1, 10000], strides = [1, 1]} : vector<4x10000xi32> to vector<1x10000xi32>
    %squeeze3A_44 = vector.shape_cast %slice3A_43 : vector<1x10000xi32> to vector<10000xi32>
    %and3A_45 = arith.constant -65536 : i32
    %and3A_46 = vector.broadcast %and3A_45 : i32 to vector<10000xi32>
    %and3A_47 = arith.andi %squeeze3A_44, %and3A_46 : vector<10000xi32>
    %or3A_48 = arith.ori %shift_right_logical3A_42, %and3A_47 : vector<10000xi32>
    %swap3A_49 = arith.constant 1 : index
    %swap3A_50 = arith.constant 0 : index
    %swap3A_51 = vector.load %arg6[%swap3A_49, %swap3A_50] : memref<2x10000xi32, #tpu.memory_space<vmem>>, vector<1x10000xi32>
    %swap3A_52 = vector.shape_cast %swap3A_51 : vector<1x10000xi32> to vector<10000xi32>
    %swap3A_53 = vector.shape_cast %or3A_48 : vector<10000xi32> to vector<1x10000xi32>
    tpu.vector_store %arg6[%swap3A_49, %swap3A_50], %swap3A_53 {strides = array<i32>} : memref<2x10000xi32, #tpu.memory_space<vmem>>, vector<1x10000xi32>,
    return
  }
}

module attributes {stable_mosaic.version = 14 : i64} {
  func.func @_post_body(%arg0: memref<32x4x10000xf32, #tpu.memory_space<vmem>>, %arg1: memref<4x10000xf32, #tpu.memory_space<vmem>>, %arg2: memref<10000xf32, #tpu.memory_space<vmem>>, %arg3: memref<4x1xf32, #tpu.memory_space<vmem>>, %arg4: memref<4x2xf32, #tpu.memory_space<vmem>>, %arg5: memref<2x10000xf32, #tpu.memory_space<vmem>>, %arg6: memref<1x10000xi32, #tpu.memory_space<vmem>>) attributes {dimension_semantics = [], scalar_prefetch = 0 : i64, scratch_operands = 0 : i64, tpu.core_type = #tpu.core_type<tc>} {
    %get3A = arith.constant 0 : index
    %get3A_0 = vector.load %arg2[%get3A] : memref<10000xf32, #tpu.memory_space<vmem>>, vector<10000xf32>
    %get3A_1 = arith.constant 0 : index
    %get3A_2 = arith.constant 0 : index
    %get3A_3 = arith.constant 0 : index
    %get3A_4 = vector.load %arg0[%get3A_1, %get3A_2, %get3A_3] : memref<32x4x10000xf32, #tpu.memory_space<vmem>>, vector<32x4x10000xf32>
    %reduce_sum3A = arith.constant dense<0.000000e+00> : vector<4x10000xf32>
    %reduce_sum3A_5 = vector.multi_reduction <add>, %get3A_4, %reduce_sum3A [0] : vector<32x4x10000xf32> to vector<4x10000xf32>
    %get3A_6 = arith.constant 0 : index
    %get3A_7 = arith.constant 0 : index
    %get3A_8 = vector.load %arg1[%get3A_6, %get3A_7] : memref<4x10000xf32, #tpu.memory_space<vmem>>, vector<4x10000xf32>
    %add3A = arith.addf %reduce_sum3A_5, %get3A_8 : vector<4x10000xf32>
    %broadcast_in_dim3A = vector.shape_cast %get3A_0 : vector<10000xf32> to vector<1x10000xf32>
    %mul3A = vector.broadcast %broadcast_in_dim3A : vector<1x10000xf32> to vector<4x10000xf32>
    %mul3A_9 = arith.mulf %mul3A, %add3A : vector<4x10000xf32>
    %get3A_10 = arith.constant 0 : index
    %get3A_11 = arith.constant 0 : index
    %get3A_12 = vector.load %arg3[%get3A_10, %get3A_11] : memref<4x1xf32, #tpu.memory_space<vmem>>, vector<4x1xf32>
    %add3A_13 = vector.broadcast %get3A_12 : vector<4x1xf32> to vector<4x10000xf32>
    %add3A_14 = arith.addf %mul3A_9, %add3A_13 : vector<4x10000xf32>
    %tanh3A = math.tanh %add3A_14 : vector<4x10000xf32>
    %get3A_15 = arith.constant 0 : index
    %get3A_16 = arith.constant 0 : index
    %get3A_17 = vector.load %arg4[%get3A_15, %get3A_16] : memref<4x2xf32, #tpu.memory_space<vmem>>, vector<4x2xf32>
    %dot_general3A = arith.constant dense<0.000000e+00> : vector<2x10000xf32>
    %dot_general3A_18 = tpu.matmul %get3A_17, %tanh3A, %dot_general3A {dimension_numbers = #tpu.dot_dimension_numbers<[0], [0], [1], [1], [0, 1, 1, 1], [], []>, transpose_lhs_hint = false} : vector<4x2xf32>, vector<4x10000xf32>, vector<2x10000xf32> -> vector<2x10000xf32>
    %broadcast_in_dim3A_19 = vector.shape_cast %get3A_0 : vector<10000xf32> to vector<1x10000xf32>
    %mul3A_20 = vector.broadcast %broadcast_in_dim3A_19 : vector<1x10000xf32> to vector<2x10000xf32>
    %mul3A_21 = arith.mulf %mul3A_20, %dot_general3A_18 : vector<2x10000xf32>
    %swap3A = arith.constant 0 : index
    %swap3A_22 = arith.constant 0 : index
    %swap3A_23 = vector.load %arg5[%swap3A, %swap3A_22] : memref<2x10000xf32, #tpu.memory_space<vmem>>, vector<2x10000xf32>
    tpu.vector_store %arg5[%swap3A, %swap3A_22], %mul3A_21 {strides = array<i32>} : memref<2x10000xf32, #tpu.memory_space<vmem>>, vector<2x10000xf32>,
    %bitcast_convert_type3A = tpu.bitcast %mul3A_21 : vector<2x10000xf32> -> vector<2x10000xi32>
    %add3A_24 = arith.constant 32768 : i32
    %add3A_25 = vector.broadcast %add3A_24 : i32 to vector<2x10000xi32>
    %add3A_26 = arith.addi %bitcast_convert_type3A, %add3A_25 : vector<2x10000xi32>
    %slice3A = vector.extract_strided_slice %add3A_26 {offsets = [0, 0], sizes = [1, 10000], strides = [1, 1]} : vector<2x10000xi32> to vector<1x10000xi32>
    %squeeze3A = vector.shape_cast %slice3A : vector<1x10000xi32> to vector<10000xi32>
    %shift_right_logical3A = arith.constant 16 : i32
    %shift_right_logical3A_27 = vector.broadcast %shift_right_logical3A : i32 to vector<10000xi32>
    %shift_right_logical3A_28 = arith.shrui %squeeze3A, %shift_right_logical3A_27 : vector<10000xi32>
    %slice3A_29 = vector.extract_strided_slice %add3A_26 {offsets = [1, 0], sizes = [1, 10000], strides = [1, 1]} : vector<2x10000xi32> to vector<1x10000xi32>
    %squeeze3A_30 = vector.shape_cast %slice3A_29 : vector<1x10000xi32> to vector<10000xi32>
    %and3A = arith.constant -65536 : i32
    %and3A_31 = vector.broadcast %and3A : i32 to vector<10000xi32>
    %and3A_32 = arith.andi %squeeze3A_30, %and3A_31 : vector<10000xi32>
    %or3A = arith.ori %shift_right_logical3A_28, %and3A_32 : vector<10000xi32>
    %swap3A_33 = arith.constant 0 : index
    %swap3A_34 = arith.constant 0 : index
    %swap3A_35 = vector.load %arg6[%swap3A_33, %swap3A_34] : memref<1x10000xi32, #tpu.memory_space<vmem>>, vector<1x10000xi32>
    %swap3A_36 = vector.shape_cast %swap3A_35 : vector<1x10000xi32> to vector<10000xi32>
    %swap3A_37 = vector.shape_cast %or3A : vector<10000xi32> to vector<1x10000xi32>
    tpu.vector_store %arg6[%swap3A_33, %swap3A_34], %swap3A_37 {strides = array<i32>} : memref<1x10000xi32, #tpu.memory_space<vmem>>, vector<1x10000xi32>,
    return
  }
}

module attributes {stable_mosaic.version = 14 : i64} {
  func.func @_final_body(%arg0: memref<32x2x10000xf32, #tpu.memory_space<vmem>>, %arg1: memref<2x10000xf32, #tpu.memory_space<vmem>>, %arg2: memref<10000xf32, #tpu.memory_space<vmem>>, %arg3: memref<2x1xf32, #tpu.memory_space<vmem>>, %arg4: memref<2x4xf32, #tpu.memory_space<vmem>>, %arg5: memref<4x1xf32, #tpu.memory_space<vmem>>, %arg6: memref<4x10000xf32, #tpu.memory_space<vmem>>, %arg7: memref<2x10000xf32, #tpu.memory_space<vmem>>) attributes {dimension_semantics = [], scalar_prefetch = 0 : i64, scratch_operands = 0 : i64, tpu.core_type = #tpu.core_type<tc>} {
    %get3A = arith.constant 0 : index
    %get3A_0 = vector.load %arg2[%get3A] : memref<10000xf32, #tpu.memory_space<vmem>>, vector<10000xf32>
    %get3A_1 = arith.constant 0 : index
    %get3A_2 = arith.constant 0 : index
    %get3A_3 = arith.constant 0 : index
    %get3A_4 = vector.load %arg0[%get3A_1, %get3A_2, %get3A_3] : memref<32x2x10000xf32, #tpu.memory_space<vmem>>, vector<32x2x10000xf32>
    %reduce_sum3A = arith.constant dense<0.000000e+00> : vector<2x10000xf32>
    %reduce_sum3A_5 = vector.multi_reduction <add>, %get3A_4, %reduce_sum3A [0] : vector<32x2x10000xf32> to vector<2x10000xf32>
    %get3A_6 = arith.constant 0 : index
    %get3A_7 = arith.constant 0 : index
    %get3A_8 = vector.load %arg1[%get3A_6, %get3A_7] : memref<2x10000xf32, #tpu.memory_space<vmem>>, vector<2x10000xf32>
    %add3A = arith.addf %reduce_sum3A_5, %get3A_8 : vector<2x10000xf32>
    %broadcast_in_dim3A = vector.shape_cast %get3A_0 : vector<10000xf32> to vector<1x10000xf32>
    %mul3A = vector.broadcast %broadcast_in_dim3A : vector<1x10000xf32> to vector<2x10000xf32>
    %mul3A_9 = arith.mulf %mul3A, %add3A : vector<2x10000xf32>
    %get3A_10 = arith.constant 0 : index
    %get3A_11 = arith.constant 0 : index
    %get3A_12 = vector.load %arg3[%get3A_10, %get3A_11] : memref<2x1xf32, #tpu.memory_space<vmem>>, vector<2x1xf32>
    %add3A_13 = vector.broadcast %get3A_12 : vector<2x1xf32> to vector<2x10000xf32>
    %add3A_14 = arith.addf %mul3A_9, %add3A_13 : vector<2x10000xf32>
    %tanh3A = math.tanh %add3A_14 : vector<2x10000xf32>
    %swap3A = arith.constant 0 : index
    %swap3A_15 = arith.constant 0 : index
    %swap3A_16 = vector.load %arg7[%swap3A, %swap3A_15] : memref<2x10000xf32, #tpu.memory_space<vmem>>, vector<2x10000xf32>
    tpu.vector_store %arg7[%swap3A, %swap3A_15], %tanh3A {strides = array<i32>} : memref<2x10000xf32, #tpu.memory_space<vmem>>, vector<2x10000xf32>,
    %get3A_17 = arith.constant 0 : index
    %get3A_18 = arith.constant 0 : index
    %get3A_19 = vector.load %arg4[%get3A_17, %get3A_18] : memref<2x4xf32, #tpu.memory_space<vmem>>, vector<2x4xf32>
    %dot_general3A = arith.constant dense<0.000000e+00> : vector<4x10000xf32>
    %dot_general3A_20 = tpu.matmul %get3A_19, %tanh3A, %dot_general3A {dimension_numbers = #tpu.dot_dimension_numbers<[0], [0], [1], [1], [0, 1, 1, 1], [], []>, transpose_lhs_hint = false} : vector<2x4xf32>, vector<2x10000xf32>, vector<4x10000xf32> -> vector<4x10000xf32>
    %get3A_21 = arith.constant 0 : index
    %get3A_22 = arith.constant 0 : index
    %get3A_23 = vector.load %arg5[%get3A_21, %get3A_22] : memref<4x1xf32, #tpu.memory_space<vmem>>, vector<4x1xf32>
    %add3A_24 = vector.broadcast %get3A_23 : vector<4x1xf32> to vector<4x10000xf32>
    %add3A_25 = arith.addf %dot_general3A_20, %add3A_24 : vector<4x10000xf32>
    %swap3A_26 = arith.constant 0 : index
    %swap3A_27 = arith.constant 0 : index
    %swap3A_28 = vector.load %arg6[%swap3A_26, %swap3A_27] : memref<4x10000xf32, #tpu.memory_space<vmem>>, vector<4x10000xf32>
    tpu.vector_store %arg6[%swap3A_26, %swap3A_27], %add3A_25 {strides = array<i32>} : memref<4x10000xf32, #tpu.memory_space<vmem>>, vector<4x10000xf32>,
    return
  }
}

</mosaic_0001>

<sc_bundles>
// kernel: kernel.11.cloned.1.call-start
scs
__scs_entry_jumppad:
0x0: {  	(pc) =	sbr.rel $0x88, $3  }
0x1: {  	(tag) =	ssettag $0x0;
	lr =	simm.s32 $0x1  }
0x2: {  	[smem:$0x3F97] =	sst lr;
	_ =	strace $0xD0000000  }
0x3: {  	_ = 	snop  }
0x4: {  	_ = 	snop  }
0x5: {  	_ = 	snop  }
0x6: {  	_ = 	snop  }
0x7: {  	_ = 	snop  }
__scs_overlays_trampoline_lowered:
0x8: {  	[smem:$0x3FA6] =	sst s0  }
0x9: {  	[smem:$0x3FA7] =	sst s1  }
0xa: {  	[smem:$0x3FA8] =	sst s2  }
0xb: {  	[smem:$0x3FA9] =	sst s3  }
0xc: {  	[smem:$0x3FAA] =	sst s4  }
0xd: {  	[smem:$0x3FAB] =	sst s5  }
0xe: {  	[smem:$0x3FAC] =	sst s6  }
0xf: {  	[smem:$0x3FAD] =	sst s7  }
0x10: {  	[smem:$0x3FAE] =	sst s8  }
0x11: {  	[smem:$0x3FAF] =	sst s9;
	s0 =	simm.s32 @!p0 $0x0  }
0x12: {  	s1 =	sld [smem:$0x3F95];
	s0 =	simm.s32 @p0 $0x1  }
0x13: {  	[smem:$0x3FB0] =	sst s0;
	s0 =	simm.s32 @!p1 $0x0  }
0x14: {  	s2 =	sld [smem:$0x3F94];
	s0 =	simm.s32 @p1 $0x1  }
0x15: {  	[smem:$0x3FB1] =	sst s0;
	s0 =	simm.s32 @!p2 $0x0  }
0x16: {  	s3 =	sld [smem:$0x3FDB];
	s0 =	simm.s32 @p2 $0x1  }
0x17: {  	s4 =	simm.s32 $0x1BF5;
	[smem:$0x3FB3] =	sst s0  }
0x18: {  	s0 =	sld [smem:$0x3F96];
	_ =	swait.ge [sflag:s4], $0x0  }
0x19: {  	s7 =	sld [smem:$0x3F97]  }
0x1a: {  	s8 =	sadd.s32 $0xFFFFE003, lr  }
0x1b: {  	s9 =	sadd.s32 $0xFFFFFEF7, lr;
	s5 =	simm.s32 $0xFFFFFFFF;
	p2 =	slt.u32 s8, $0xFFFFF086  }
0x1c: {  	p1 =	slt.u32 s9, $0xF7A;
	s5 =	simm.s32 @!p2 $0x0  }
0x1d: {  	s5 =	simm.s32 @p1 $0x1;
	p0 =	seq.s32 s7, s2  }
0x1e: {  	s7 =	smul.u32 @!p0 $0xF7A, s2;
	p2 =	seq.s32 @!p0 s5, $0x0  }
0x1f: {  	s9 =	smul.u32 $0xF7A, s1;
	s8 =	simm.s32 @!p0 $0x1BF5;
	p2 =	por !p2, p0  }
0x20: {  	[sflag:s8] =	ssyncset.s32 @!p0 $0xFFFFF086;
	s6 =	sadd.s32 @!p0 s3, s7;
	s7 =	simm.s32 @!p0 $0x108  }
0x21: {  	s3 =	sadd.s32 s3, s9;
	s6 =	sadd.s32 @!p0 $0x88, s6;
	s7 =	simm.s32 @p2 $0x1082  }
0x22: {  	[simem:s7], [sflag:s8] =	dma.local @!p0 [hbm:s6], $0xF7A  }
0x23: {  	s9 =	sor.u32 $0xD0000000, s2;
	s6 =	simm.s32 $0x108;
	_ =	swait.ge @!p0 [sflag:s8], $0x0  }
0x24: {  	s3 =	sadd.s32 $0x88, s3;
	s6 =	simm.s32 @!p1 $0x1082;
	[sflag:s4] =	ssyncset.s32 $0xFFFFF086  }
0x25: {  	[simem:s6], [sflag:s4] =	dma.local [hbm:s3], $0xF7A  }
0x26: {  	[smem:$0x3F97] =	sst s1;
	(tag) =	ssettag s2;
	_ =	strace s9  }
0x27: {  	s1 =	sld [smem:$0x3FA7]  }
0x28: {  	s2 =	sld [smem:$0x3FA8]  }
0x29: {  	s4 =	sld [smem:$0x3FAA]  }
0x2a: {  	p0 =	seq.s32 s5, $0x0;
	s5 =	sld [smem:$0x3FAB]  }
0x2b: {  	s6 =	sld [smem:$0x3FAC]  }
0x2c: {  	s7 =	sld [smem:$0x3FAD]  }
0x2d: {  	s3 =	simm.s32 $0x108;
	s8 =	sld [smem:$0x3FAE]  }
0x2e: {  	s3 =	simm.s32 @!p0 $0x1082;
	s9 =	sld [smem:$0x3FAF]  }
0x2f: {  	lr =	sadd.s32 s0, s3;
	s0 =	sld [smem:$0x3FA6]  }
0x30: {  	s3 =	sld [smem:$0x3FA9]  }
0x31: {  	[smem:$0x3FB2] =	sst s10  }
0x32: {  	s10 =	sld [smem:$0x3FB0];
	_ =	sdelay $0x3  }
0x33: {  	p0 =	seq.s32 s10, $0x1;
	s10 =	sld [smem:$0x3FB2];
	_ =	sdelay $0x3  }
0x34: {  	[smem:$0x3FB2] =	sst s10  }
0x35: {  	s10 =	sld [smem:$0x3FB1];
	_ =	sdelay $0x3  }
0x36: {  	p1 =	seq.s32 s10, $0x1;
	s10 =	sld [smem:$0x3FB2];
	_ =	sdelay $0x3  }
0x37: {  	[smem:$0x3FB2] =	sst s10  }
0x38: {  	s10 =	sld [smem:$0x3FB3]  }
0x39: {  	_ = 	snop;
	(pc) =	sbr.ind lr, $3  }
0x3a: {  	_ = 	snop  }
0x3b: {  	_ = 	snop  }
0x3c: {  	p2 =	seq.s32 s10, $0x1;
	s10 =	sld [smem:$0x3FB2]  }
0x3d: {  	_ =	shalt  }
0x3e: {  	_ =	shalt  }
0x3f: {  	_ =	shalt  }
0x40: {  	_ =	shalt  }
0x41: {  	_ =	shalt  }
0x42: {  	_ =	shalt  }
0x43: {  	_ =	shalt  }
0x44: {  	_ =	shalt  }
0x45: {  	_ =	shalt  }
0x46: {  	_ =	shalt  }
0x47: {  	_ =	shalt  }
0x48: {  	_ =	shalt  }
0x49: {  	_ =	shalt  }
0x4a: {  	_ =	shalt  }
0x4b: {  	_ =	shalt  }
0x4c: {  	_ =	shalt  }
0x4d: {  	_ =	shalt  }
0x4e: {  	_ =	shalt  }
0x4f: {  	_ =	shalt  }
0x50: {  	_ =	shalt  }
0x51: {  	_ =	shalt  }
0x52: {  	_ =	shalt  }
0x53: {  	_ =	shalt  }
0x54: {  	_ =	shalt  }
0x55: {  	_ =	shalt  }
0x56: {  	_ =	shalt  }
0x57: {  	_ =	shalt  }
0x58: {  	_ =	shalt  }
0x59: {  	_ =	shalt  }
0x5a: {  	_ =	shalt  }
0x5b: {  	_ =	shalt  }
0x5c: {  	_ =	shalt  }
0x5d: {  	_ =	shalt  }
0x5e: {  	_ =	shalt  }
0x5f: {  	_ =	shalt  }
0x60: {  	_ =	shalt  }
0x61: {  	_ =	shalt  }
0x62: {  	_ =	shalt  }
0x63: {  	_ =	shalt  }
0x64: {  	_ =	shalt  }
0x65: {  	_ =	shalt  }
0x66: {  	_ =	shalt  }
0x67: {  	_ =	shalt  }
0x68: {  	_ =	shalt  }
0x69: {  	_ =	shalt  }
0x6a: {  	_ =	shalt  }
0x6b: {  	_ =	shalt  }
0x6c: {  	_ =	shalt  }
0x6d: {  	_ =	shalt  }
0x6e: {  	_ =	shalt  }
0x6f: {  	_ =	shalt  }
0x70: {  	_ =	shalt  }
0x71: {  	_ =	shalt  }
0x72: {  	_ =	shalt  }
0x73: {  	_ =	shalt  }
0x74: {  	_ =	shalt  }
0x75: {  	_ =	shalt  }
0x76: {  	_ =	shalt  }
0x77: {  	_ =	shalt  }
0x78: {  	_ =	shalt  }
0x79: {  	_ =	shalt  }
0x7a: {  	_ =	shalt  }
0x7b: {  	_ =	shalt  }
0x7c: {  	_ =	shalt  }
0x7d: {  	_ =	shalt  }
0x7e: {  	_ =	shalt  }
0x7f: {  	_ =	shalt  }
0x80: {  	_ =	shalt  }
0x81: {  	_ =	shalt  }
0x82: {  	_ =	shalt  }
0x83: {  	_ =	shalt  }
0x84: {  	_ =	shalt  }
0x85: {  	_ =	shalt  }
0x86: {  	_ =	shalt  }
0x87: {  	_ =	shalt  }
.Lfunc_end0:
.L_simem_size_0:
called_computation_lowered:
.L_overlay_start_0:
0x88: {  	s2 =	sld [smem:$0x3FD9]  }
0x89: {  	s3 =	sld [smem:$0x3FFE];
	_ =	sdelay $0x1  }
0x8a: {  	s1 =	srdreg.scid  }
0x8b: {  	s0 =	sand.u32 $0x1, s1  }
0x8c: {  	s16 =	sshll.u32 s0, $0xA;
	s2 =	sadd.s32 s3, s2  }
0x8d: {  	s2 =	sadd.s32 s2, s16  }
0x8e: {  	[smem:$0x3FBE] =	sst s2  }
0x8f: {  	_ = 	snop  }
0x90: {  	(tm) =	ssettm $0x1  }
0x91: {  	s17 =	sld [smem:$0x3FFB];
	_ =	sdelay $0x3  }
0x92: {  	_ =	strace s17  }
0x93: {  	s2 =	sld [smem:$0x3FFC];
	_ =	sdelay $0x3  }
0x94: {  	_ =	strace s2  }
0x95: {  	s2 =	sld [smem:$0x3FFD];
	_ =	sdelay $0x3  }
0x96: {  	_ =	strace s2  }
0x97: {  	_ =	strace $0x8FFFFFFF  }
0x98: {  	s18 =	sld [smem:$0x3FDB];
	_ =	sdelay $0x1  }
0x99: {  	s19 =	simm.s32 $_scs_section_size  }
0x9a: {  	s4 =	simm.s32 $_size__tile_overlayer_lowered;
	s5 =	simm.s32 $_tile_overlayer_lowered  }
0x9b: {  	s22 =	simm.s32 $0x1BFF;
	s21 =	sshll.u32 s5, $0x1;
	s2 =	sadd.s32 s19, s18  }
0x9c: {  	s6 =	simm.s32 $0x0;
	s20 =	sshll.u32 s4, $0x1;
	s4 =	sadd.s32 s21, s2  }
0x9d: {  	[timem:s6], [sflag:s22] =	dma.local [hbm:s4], s20  }
0x9e: {  	_ =	swait.ge [sflag:s22], s20  }
0x9f: {  	s3 =	ssub.s32 $0x0, s20;
	[sflag:s22] =	ssyncset.done $0x0  }
0xa0: {  	[sflag:s22] =	ssyncadd.s32 s3;
	_ =	sdelay $0x1  }
0xa1: {  	s23 =	simm.s32 $0x1B8B  }
0xa2: {  	_ =	swait.ge [sflag:s23], $0x1  }
0xa3: {  	[sflag:s23] =	ssyncset.done $0x0  }
0xa4: {  	s25 =	simm.s32 $0x1B8E;
	s24 =	sld [smem:$0x3FFE];
	[sflag:s23] =	ssyncadd.s32 $0xFFFFFFFF  }
0xa5: {  	s26 =	simm.s32 $execute0_lowered;
	[smem:$0x3FD2] =	sst s25  }
0xa6: {  	s4 =	sshll.u32 s26, $0x1;
	_ =	strace $0x80000046;
	[dreg:$0x1] =	wrdreg $0xFFFFFFFF  }
0xa7: {  	s28 =	simm.s32 $_size_execute0_lowered;
	s2 =	sadd.s32 s2, s4;
	[dreg:$0x0] =	wrdreg $0x0  }
0xa8: {  	s4 =	sshll.u32 s28, $0x1;
	[dreg:$0x2] =	wrdreg s2  }
0xa9: {  	[dreg:$0x3] =	wrdreg s4  }
0xaa: {  	[dreg:$0x4] =	wrdreg $0xC0  }
0xab: {  	_ =	task [dreg:s6], $0x5FFFF  }
0xac: {  	[dreg:$0x1] =	wrdreg $0xFFFFFFFF  }
0xad: {  	[dreg:$0x0] =	wrdreg $0x60  }
0xae: {  	[dreg:$0x2] =	wrdreg s24  }
0xaf: {  	[dreg:$0x3] =	wrdreg $0x9  }
0xb0: {  	_ =	task.clear_ibuf [dreg:s6], $0x4FFFF;
	_ =	strace $0x90000046  }
0xb1: {  	s29 =	simm.s32 $0x9;
	_ =	strace $0x80000048  }
0xb2: {  	_ =	swait.ge [sflag:s29], $0x1  }
0xb3: {  	[sflag:s29] =	ssyncadd.s32 $0xFFFFFFFF  }
0xb4: {  	_ =	strace $0x90000048  }
0xb5: {  	_ =	sfence  }
0xb6: {  	s30 =	sld [smem:$0x0];
	_ =	sdelay $0x2  }
0xb7: {  	s31 =	sshll.u32 s1, $0xD;
	s1 =	sshrl.u32 s1, $0x2  }
0xb8: {  	s3 =	sand.u32 $0x4000, s31;
	s1 =	sadd.s32 s1, s30  }
0xb9: {  	s0 =	sor.u32 s3, s0;
	s1 =	sshll.u32 s1, $0x11  }
0xba: {  	s0 =	sor.u32 s1, s0  }
0xbb: {  	s0 =	sadd.s32 $0x8F2B, s0  }
0xbc: {  	[sflag:s0] =	ssyncadd.remote.s32 $0x1  }
0xbd: {  	_ =	sfence.sel $0xFFFF  }
0xbe: {  	[dreg:$0x0] =	wrdreg $0xFFFFFFFF;
	(pc) =	sbr.abs _section_cstart, $3  }
0xbf: {  	[dreg:$0x1] =	wrdreg $0xFFFFFFFF  }
0xc0: {  	_ =	task.clear_ibuf [dreg:s6], $0x2FFFF;
	_ =	strace $0x9FFFFFFF  }
0xc1: {  	(tm) =	ssettm $0x7FFFFFFF  }
tec
execute0_lowered:
.L_overlay_start_1:
0x0: {  	(tag) =	ssettag $0x1  }
0x1: {  	s1 =	srdreg.scid;
	s0 =	stileid.u32  }
0x2: {  	s3 =	rddreg [dreg:$0x0];
	s8 =	simm.s32 $0x80;
	s9 =	simm.s32 $0x400  }
0x3: {  	s10 =	simm.s32 $0x2;
	s4 =	sand.u32 $0x1, s1;
	s2 =	sshll.u32 s0, $0x1  }
0x4: {  	s11 =	simm.s32 $0x0;
	s6 =	sshrl.u32 s0, $0x2;
	s5 =	sor.u32 s4, s2  }
0x5: {  	s1 =	rddreg [dreg:$0x1];
	s6 =	smul.u32 $0x13C00, s6;
	s7 =	sshll.u32 s5, $0x7  }
0x6: {  	s2 =	simm.s32 $0x0;
	s4 =	ssub.s32 $0x2, s4;
	s7 =	sand.u32 $0x380, s7  }
0x7: {  	[smem:$0x7FF] =	sst s2;
	s5 =	smul.u32 $0x2710, s5;
	s6 =	sor.u32 s6, s7  }
0x8: {  	s31 =	sshrl.u32 s4, $0x1;
	_ =	strace $0x80000047;
	s6 =	sshrl.u32 s6, $0x3  }
0x9: {  	s5 =	sshrl.u32 s5, $0x3;
	s7 =	ssub.s32 s4, s31;
	s6 =	sadd.s32 s6, s3  }
0xa: {  	s3 =	sadd.s32 s3, s5;
	s5 =	smax.u32 s7, $0x1;
	s7 =	simm.s32 $0x2780  }
0xb: {  	v0 =	vimm.f32 $0.0e+00;
	v1 =	vimm.f32 $1.000000000e+00;
	s3 =	sadd.s32 $0xDA40, s3;
	s4 =	sadd.s32 $0x17800, s6;
	s6 =	simm.s32 $0x1  }
.LBB2_1:
0xc: {  	[tilespmem:s2], [sflag:$0x1] =	stream.linear.gather [hbm4b:s3+s2], $0x2710, $0x38;
	[tilespmem:$0x4F00] =	vst v63  }
0xd: {  	s12 =	simm.s32 $0x27A0  }
0xe: {  	[tilespmem:s12+$0xFFFFFFE0] =	vst v0  }
0xf: {  	[tilespmem:s12+$0x10] =	vst v0  }
0x10: {  	s13 =	simm.s32 $0x0;
	[tilespmem:s12+$0x0] =	vst v0  }
.LBB2_2:
0x11: {  	s13 =	sadd.s32 $0x4, s13  }
0x12: {  	[tilespmem:s12+$0xFFFFFFF0] =	vst v0;
	s12 =	sadd.s32 $0x40, s12;
	p0 =	slt.u32 s13, $0x26C  }
.Ltmp0:
0x13: {  	[tilespmem:s12+$0xFFFFFFE0] =	vst v0;
	(pc) =	sbr.rel @p0 .LBB2_2-.Ltmp0, $3  }
0x14: {  	_ =	sdelay $0x1  }
0x15: {  	[tilespmem:s12+$0x10] =	vst v0  }
0x16: {  	[tilespmem:s12+$0x0] =	vst v0  }
0x17: {  	[tilespmem:s12+$0xFFFFFFF0] =	vst v0  }
0x18: {  	[tilespmem:$0x4E80] =	vst v0  }
0x19: {  	_ =	swait.ge [sflag:s6], $0x2710  }
0x1a: {  	[sflag:s6] =	ssyncset.done $0x0  }
0x1b: {  	s12 =	simm.s32 $0x0;
	[sflag:s6] =	ssyncadd.s32 $0xFFFFD8F0  }
.LBB2_4:
0x1c: {  	s13 =	sshra.s32 s12, $0x2  }
0x1d: {  	v2 =	vld [tilespmem:s13+$0x0];
	_ =	sdelay $0x7  }
0x1e: {  	[tilespmem:v2+s7+$0x0] =	vst.idx.add.f32.msk $0xffff, v1  }
0x1f: {  	v2 =	vld [tilespmem:s13+$0x10];
	_ =	sdelay $0x7  }
0x20: {  	[tilespmem:v2+s7+$0x0] =	vst.idx.add.f32.msk $0xffff, v1  }
0x21: {  	v2 =	vld [tilespmem:s13+$0x20];
	_ =	sdelay $0x7  }
0x22: {  	[tilespmem:v2+s7+$0x0] =	vst.idx.add.f32.msk $0xffff, v1  }
0x23: {  	v2 =	vld [tilespmem:s13+$0x30];
	_ =	sdelay $0x7  }
0x24: {  	[tilespmem:v2+s7+$0x0] =	vst.idx.add.f32.msk $0xffff, v1  }
0x25: {  	v2 =	vld [tilespmem:s13+$0x40];
	_ =	sdelay $0x2  }
0x26: {  	p0 =	sne.s32 s12, $0x9B00  }
.Ltmp1:
0x27: {  	_ = 	snop;
	(pc) =	sbr.rel @p0 .LBB2_4-.Ltmp1, $2  }
0x28: {  	_ =	sdelay $0x2  }
0x29: {  	s12 =	sadd.s32 $0x140, s12;
	[tilespmem:v2+s7+$0x0] =	vst.idx.add.f32.msk $0xffff, v1  }
0x2a: {  	s11 =	sadd.s32 $0x1, s11  }
0x2b: {  	p0 =	sne.s32 s11, s5  }
.Ltmp2:
0x2c: {  	_ = 	snop;
	(pc) =	sbr.rel @p0 .LBB2_1-.Ltmp2, $4  }
0x2d: {  	[hbm4b:s4+s8] =	stream.strided.scatter [tilespmem:s7], [sflag:$0x2], $0x2780, s9, s8, $0x38;
	[tilespmem:$0x4F00] =	vst v63  }
0x2e: {  	_ =	swait.ge [sflag:s10], $0x2780  }
0x2f: {  	[sflag:s10] =	ssyncset.done $0x0  }
0x30: {  	[sflag:s10] =	ssyncadd.s32 $0xFFFFD880  }
0x31: {  	_ =	sfence.sel $0x180000  }
0x32: {  	[bflag:$0x0] =	sbarrier.arrive $0xFFFF  }
0x33: {  	p0 =	sne.s32 s0, $0x0;
	_ =	strace $0x90000047  }
0x34: {  	s0 =	sadd.s32 @!p0 $0x100000, s1;
	[bflag:$0x2] =	sbarrier.arrive $0xFFFF  }
0x35: {  	[sflag:s0] =	ssyncadd.tile.s32 @!p0 $0x1;
	_ =	shalt  }
.Lfunc_end2:
_tile_overlayer_lowered:
.L_overlay_start_2:
0x36: {  	(tag) =	ssettag $0x2  }
0x37: {  	s0 =	rddreg [dreg:$0x0];
	s2 =	stileid.u32  }
0x38: {  	s1 =	rddreg [dreg:$0x1];
	p0 =	sne.s32 s2, $0x0  }
0x39: {  	s3 =	rddreg [dreg:$0x2];
	[bflag:$0x3] =	sbarrier.arrive $0xFFFF;
	s2 =	simm.s32 @!p0 $0x1C02  }
0x3a: {  	[timem:s3], [sflag:s2] =	dma.local @!p0 [hbm:s0], s1  }
0x3b: {  	s0 =	simm.s32 @!p0 $0x2  }
0x3c: {  	_ =	swait.ge @!p0 [sflag:s0], s1  }
0x3d: {  	s1 =	ssub.s32 @!p0 $0x0, s1;
	[sflag:s0] =	ssyncset.done @!p0 $0x0  }
0x3e: {  	[sflag:s0] =	ssyncadd.s32 @!p0 s1  }
0x3f: {  	[bflag:$0x3] =	sbarrier.arrive $0xFFFF  }
0x40: {  	_ =	shalt  }

// kernel: kernel.14.cloned.1.call-start
scs
__scs_entry_jumppad:
0x0: {  	(pc) =	sbr.rel $0x88, $3  }
0x1: {  	(tag) =	ssettag $0x0;
	lr =	simm.s32 $0x1  }
0x2: {  	[smem:$0x3F97] =	sst lr;
	_ =	strace $0xD0000000  }
0x3: {  	_ = 	snop  }
0x4: {  	_ = 	snop  }
0x5: {  	_ = 	snop  }
0x6: {  	_ = 	snop  }
0x7: {  	_ = 	snop  }
__scs_overlays_trampoline_lowered:
0x8: {  	[smem:$0x3FA6] =	sst s0  }
0x9: {  	[smem:$0x3FA7] =	sst s1  }
0xa: {  	[smem:$0x3FA8] =	sst s2  }
0xb: {  	[smem:$0x3FA9] =	sst s3  }
0xc: {  	[smem:$0x3FAA] =	sst s4  }
0xd: {  	[smem:$0x3FAB] =	sst s5  }
0xe: {  	[smem:$0x3FAC] =	sst s6  }
0xf: {  	[smem:$0x3FAD] =	sst s7  }
0x10: {  	[smem:$0x3FAE] =	sst s8  }
0x11: {  	[smem:$0x3FAF] =	sst s9;
	s0 =	simm.s32 @!p0 $0x0  }
0x12: {  	s1 =	sld [smem:$0x3F95];
	s0 =	simm.s32 @p0 $0x1  }
0x13: {  	[smem:$0x3FB0] =	sst s0;
	s0 =	simm.s32 @!p1 $0x0  }
0x14: {  	s2 =	sld [smem:$0x3F94];
	s0 =	simm.s32 @p1 $0x1  }
0x15: {  	[smem:$0x3FB1] =	sst s0;
	s0 =	simm.s32 @!p2 $0x0  }
0x16: {  	s3 =	sld [smem:$0x3FDB];
	s0 =	simm.s32 @p2 $0x1  }
0x17: {  	s4 =	simm.s32 $0x1BF5;
	[smem:$0x3FB3] =	sst s0  }
0x18: {  	s0 =	sld [smem:$0x3F96];
	_ =	swait.ge [sflag:s4], $0x0  }
0x19: {  	s7 =	sld [smem:$0x3F97]  }
0x1a: {  	s8 =	sadd.s32 $0xFFFFE003, lr  }
0x1b: {  	s9 =	sadd.s32 $0xFFFFFEF7, lr;
	s5 =	simm.s32 $0xFFFFFFFF;
	p2 =	slt.u32 s8, $0xFFFFF086  }
0x1c: {  	p1 =	slt.u32 s9, $0xF7A;
	s5 =	simm.s32 @!p2 $0x0  }
0x1d: {  	s5 =	simm.s32 @p1 $0x1;
	p0 =	seq.s32 s7, s2  }
0x1e: {  	s7 =	smul.u32 @!p0 $0xF7A, s2;
	p2 =	seq.s32 @!p0 s5, $0x0  }
0x1f: {  	s9 =	smul.u32 $0xF7A, s1;
	s8 =	simm.s32 @!p0 $0x1BF5;
	p2 =	por !p2, p0  }
0x20: {  	[sflag:s8] =	ssyncset.s32 @!p0 $0xFFFFF086;
	s6 =	sadd.s32 @!p0 s3, s7;
	s7 =	simm.s32 @!p0 $0x108  }
0x21: {  	s3 =	sadd.s32 s3, s9;
	s6 =	sadd.s32 @!p0 $0x88, s6;
	s7 =	simm.s32 @p2 $0x1082  }
0x22: {  	[simem:s7], [sflag:s8] =	dma.local @!p0 [hbm:s6], $0xF7A  }
0x23: {  	s9 =	sor.u32 $0xD0000000, s2;
	s6 =	simm.s32 $0x108;
	_ =	swait.ge @!p0 [sflag:s8], $0x0  }
0x24: {  	s3 =	sadd.s32 $0x88, s3;
	s6 =	simm.s32 @!p1 $0x1082;
	[sflag:s4] =	ssyncset.s32 $0xFFFFF086  }
0x25: {  	[simem:s6], [sflag:s4] =	dma.local [hbm:s3], $0xF7A  }
0x26: {  	[smem:$0x3F97] =	sst s1;
	(tag) =	ssettag s2;
	_ =	strace s9  }
0x27: {  	s1 =	sld [smem:$0x3FA7]  }
0x28: {  	s2 =	sld [smem:$0x3FA8]  }
0x29: {  	s4 =	sld [smem:$0x3FAA]  }
0x2a: {  	p0 =	seq.s32 s5, $0x0;
	s5 =	sld [smem:$0x3FAB]  }
0x2b: {  	s6 =	sld [smem:$0x3FAC]  }
0x2c: {  	s7 =	sld [smem:$0x3FAD]  }
0x2d: {  	s3 =	simm.s32 $0x108;
	s8 =	sld [smem:$0x3FAE]  }
0x2e: {  	s3 =	simm.s32 @!p0 $0x1082;
	s9 =	sld [smem:$0x3FAF]  }
0x2f: {  	lr =	sadd.s32 s0, s3;
	s0 =	sld [smem:$0x3FA6]  }
0x30: {  	s3 =	sld [smem:$0x3FA9]  }
0x31: {  	[smem:$0x3FB2] =	sst s10  }
0x32: {  	s10 =	sld [smem:$0x3FB0];
	_ =	sdelay $0x3  }
0x33: {  	p0 =	seq.s32 s10, $0x1;
	s10 =	sld [smem:$0x3FB2];
	_ =	sdelay $0x3  }
0x34: {  	[smem:$0x3FB2] =	sst s10  }
0x35: {  	s10 =	sld [smem:$0x3FB1];
	_ =	sdelay $0x3  }
0x36: {  	p1 =	seq.s32 s10, $0x1;
	s10 =	sld [smem:$0x3FB2];
	_ =	sdelay $0x3  }
0x37: {  	[smem:$0x3FB2] =	sst s10  }
0x38: {  	s10 =	sld [smem:$0x3FB3]  }
0x39: {  	_ = 	snop;
	(pc) =	sbr.ind lr, $3  }
0x3a: {  	_ = 	snop  }
0x3b: {  	_ = 	snop  }
0x3c: {  	p2 =	seq.s32 s10, $0x1;
	s10 =	sld [smem:$0x3FB2]  }
0x3d: {  	_ =	shalt  }
0x3e: {  	_ =	shalt  }
0x3f: {  	_ =	shalt  }
0x40: {  	_ =	shalt  }
0x41: {  	_ =	shalt  }
0x42: {  	_ =	shalt  }
0x43: {  	_ =	shalt  }
0x44: {  	_ =	shalt  }
0x45: {  	_ =	shalt  }
0x46: {  	_ =	shalt  }
0x47: {  	_ =	shalt  }
0x48: {  	_ =	shalt  }
0x49: {  	_ =	shalt  }
0x4a: {  	_ =	shalt  }
0x4b: {  	_ =	shalt  }
0x4c: {  	_ =	shalt  }
0x4d: {  	_ =	shalt  }
0x4e: {  	_ =	shalt  }
0x4f: {  	_ =	shalt  }
0x50: {  	_ =	shalt  }
0x51: {  	_ =	shalt  }
0x52: {  	_ =	shalt  }
0x53: {  	_ =	shalt  }
0x54: {  	_ =	shalt  }
0x55: {  	_ =	shalt  }
0x56: {  	_ =	shalt  }
0x57: {  	_ =	shalt  }
0x58: {  	_ =	shalt  }
0x59: {  	_ =	shalt  }
0x5a: {  	_ =	shalt  }
0x5b: {  	_ =	shalt  }
0x5c: {  	_ =	shalt  }
0x5d: {  	_ =	shalt  }
0x5e: {  	_ =	shalt  }
0x5f: {  	_ =	shalt  }
0x60: {  	_ =	shalt  }
0x61: {  	_ =	shalt  }
0x62: {  	_ =	shalt  }
0x63: {  	_ =	shalt  }
0x64: {  	_ =	shalt  }
0x65: {  	_ =	shalt  }
0x66: {  	_ =	shalt  }
0x67: {  	_ =	shalt  }
0x68: {  	_ =	shalt  }
0x69: {  	_ =	shalt  }
0x6a: {  	_ =	shalt  }
0x6b: {  	_ =	shalt  }
0x6c: {  	_ =	shalt  }
0x6d: {  	_ =	shalt  }
0x6e: {  	_ =	shalt  }
0x6f: {  	_ =	shalt  }
0x70: {  	_ =	shalt  }
0x71: {  	_ =	shalt  }
0x72: {  	_ =	shalt  }
0x73: {  	_ =	shalt  }
0x74: {  	_ =	shalt  }
0x75: {  	_ =	shalt  }
0x76: {  	_ =	shalt  }
0x77: {  	_ =	shalt  }
0x78: {  	_ =	shalt  }
0x79: {  	_ =	shalt  }
0x7a: {  	_ =	shalt  }
0x7b: {  	_ =	shalt  }
0x7c: {  	_ =	shalt  }
0x7d: {  	_ =	shalt  }
0x7e: {  	_ =	shalt  }
0x7f: {  	_ =	shalt  }
0x80: {  	_ =	shalt  }
0x81: {  	_ =	shalt  }
0x82: {  	_ =	shalt  }
0x83: {  	_ =	shalt  }
0x84: {  	_ =	shalt  }
0x85: {  	_ =	shalt  }
0x86: {  	_ =	shalt  }
0x87: {  	_ =	shalt  }
.Lfunc_end0:
.L_simem_size_0:
called_computation.1_lowered:
.L_overlay_start_0:
0x88: {  	s2 =	sld [smem:$0x3FD9]  }
0x89: {  	s3 =	sld [smem:$0x3FFE];
	_ =	sdelay $0x1  }
0x8a: {  	s1 =	srdreg.scid  }
0x8b: {  	s0 =	sand.u32 $0x1, s1  }
0x8c: {  	s14 =	sshll.u32 s0, $0xA;
	s2 =	sadd.s32 s3, s2  }
0x8d: {  	s2 =	sadd.s32 s2, s14  }
0x8e: {  	[smem:$0x3FBE] =	sst s2  }
0x8f: {  	_ = 	snop  }
0x90: {  	s2 =	sld [smem:$0x3FD0];
	_ =	sdelay $0x2  }
0x91: {  	s15 =	simm.s32 $0xA;
	s4 =	simm.s32 $0x10  }
0x92: {  	[smem:s4], [sflag:s15] =	dma.local [hbm:s2], $0x1  }
0x93: {  	_ =	swait.eq [sflag:s15], $0x1  }
0x94: {  	[sflag:s15] =	ssyncset.done $0x0  }
0x95: {  	[sflag:s15] =	ssyncadd.s32 $0xFFFFFFFF  }
0x96: {  	s16 =	sld [smem:$0x11];
	(tm) =	ssettm $0x1  }
0x97: {  	s17 =	sld [smem:$0x3FFB];
	_ =	sdelay $0x3  }
0x98: {  	_ =	strace s17  }
0x99: {  	s3 =	sld [smem:$0x3FFC];
	_ =	sdelay $0x3  }
0x9a: {  	_ =	strace s3  }
0x9b: {  	s3 =	sld [smem:$0x3FFD];
	_ =	sdelay $0x3  }
0x9c: {  	_ =	strace s3  }
0x9d: {  	_ =	strace $0x8FFFFFFF  }
0x9e: {  	s18 =	sld [smem:$0x3FDB];
	_ =	sdelay $0x1  }
0x9f: {  	s19 =	simm.s32 $_scs_section_size  }
0xa0: {  	s5 =	simm.s32 $_size__tile_overlayer_lowered;
	s6 =	simm.s32 $_tile_overlayer_lowered  }
0xa1: {  	s22 =	simm.s32 $0x1BFF;
	s21 =	sshll.u32 s6, $0x1;
	s3 =	sadd.s32 s19, s18  }
0xa2: {  	s7 =	simm.s32 $0x0;
	s20 =	sshll.u32 s5, $0x1;
	s5 =	sadd.s32 s21, s3  }
0xa3: {  	[timem:s7], [sflag:s22] =	dma.local [hbm:s5], s20  }
0xa4: {  	_ =	swait.ge [sflag:s22], s20  }
0xa5: {  	s4 =	ssub.s32 $0x0, s20;
	[sflag:s22] =	ssyncset.done $0x0  }
0xa6: {  	[sflag:s22] =	ssyncadd.s32 s4;
	_ =	sdelay $0x1  }
0xa7: {  	s23 =	simm.s32 $0x1B8B  }
0xa8: {  	_ =	swait.ge [sflag:s23], $0x1  }
0xa9: {  	[sflag:s23] =	ssyncset.done $0x0  }
0xaa: {  	s25 =	simm.s32 $0x1B8E;
	s24 =	sld [smem:$0x3FFE];
	[sflag:s23] =	ssyncadd.s32 $0xFFFFFFFF  }
0xab: {  	s26 =	simm.s32 $execute0_lowered;
	[smem:$0x3FD2] =	sst s25  }
0xac: {  	s5 =	sshll.u32 s26, $0x1;
	_ =	strace $0x80000049;
	[dreg:$0x1] =	wrdreg $0xFFFFFFFF  }
0xad: {  	s28 =	simm.s32 $_size_execute0_lowered;
	s3 =	sadd.s32 s3, s5;
	[dreg:$0x0] =	wrdreg $0x0  }
0xae: {  	s5 =	sshll.u32 s28, $0x1;
	[dreg:$0x2] =	wrdreg s3  }
0xaf: {  	[dreg:$0x3] =	wrdreg s5  }
0xb0: {  	[dreg:$0x4] =	wrdreg $0xC0  }
0xb1: {  	_ =	task [dreg:s7], $0x5FFFF  }
0xb2: {  	[dreg:$0x1] =	wrdreg $0xFFFFFFFF  }
0xb3: {  	[dreg:$0x0] =	wrdreg $0x60  }
0xb4: {  	[dreg:$0x2] =	wrdreg s16  }
0xb5: {  	[dreg:$0x3] =	wrdreg s24  }
0xb6: {  	[dreg:$0x4] =	wrdreg $0x9  }
0xb7: {  	_ =	task.clear_ibuf [dreg:s7], $0x5FFFF;
	_ =	strace $0x90000049  }
0xb8: {  	s29 =	simm.s32 $0x9;
	_ =	strace $0x8000004B  }
0xb9: {  	_ =	swait.ge [sflag:s29], $0x1  }
0xba: {  	[sflag:s29] =	ssyncadd.s32 $0xFFFFFFFF  }
0xbb: {  	_ =	strace $0x9000004B  }
0xbc: {  	_ =	sfence  }
0xbd: {  	s30 =	sld [smem:$0x0];
	_ =	sdelay $0x2  }
0xbe: {  	s31 =	sshll.u32 s1, $0xD;
	s1 =	sshrl.u32 s1, $0x2  }
0xbf: {  	s3 =	sand.u32 $0x4000, s31;
	s1 =	sadd.s32 s1, s30  }
0xc0: {  	s0 =	sor.u32 s3, s0;
	s1 =	sshll.u32 s1, $0x11  }
0xc1: {  	s0 =	sor.u32 s1, s0  }
0xc2: {  	s0 =	sadd.s32 $0x8F2B, s0  }
0xc3: {  	[sflag:s0] =	ssyncadd.remote.s32 $0x1  }
0xc4: {  	_ =	sfence.sel $0xFFFF  }
0xc5: {  	[dreg:$0x0] =	wrdreg $0xFFFFFFFF;
	(pc) =	sbr.abs _section_cstart, $3  }
0xc6: {  	[dreg:$0x1] =	wrdreg $0xFFFFFFFF  }
0xc7: {  	_ =	task.clear_ibuf [dreg:s7], $0x2FFFF;
	_ =	strace $0x9FFFFFFF  }
0xc8: {  	(tm) =	ssettm $0x7FFFFFFF  }
0xc9: {  	_ =	shalt  }
tec
execute0_lowered:
.L_overlay_start_1:
0x0: {  	(tag) =	ssettag $0x1  }
0x1: {  	s1 =	srdreg.scid;
	s2 =	rddreg [dreg:$0x0]  }
0x2: {  	s0 =	stileid.u32;
	s5 =	rddreg [dreg:$0x1]  }
0x3: {  	s3 =	simm.s32 $0x0;
	s9 =	simm.s32 $0x11480;
	s10 =	simm.s32 $0x1  }
0x4: {  	s11 =	simm.s32 $0x2;
	s4 =	sand.u32 $0x1, s1;
	s31 =	sshll.u32 s0, $0x1  }
0x5: {  	s12 =	simm.s32 $0x3;
	s13 =	simm.s32 $0x4F00;
	s6 =	sor.u32 s4, s31  }
0x6: {  	s14 =	simm.s32 $0x4;
	s1 =	rddreg [dreg:$0x2];
	s7 =	smul.u32 $0x2710, s6  }
0x7: {  	s15 =	simm.s32 $0x0;
	[smem:$0x7FF] =	sst s3;
	s6 =	smul.u32 $0x13C0, s6  }
0x8: {  	s4 =	ssub.s32 $0x2, s4;
	_ =	strace $0x8000004A;
	s7 =	sshrl.u32 s7, $0x3  }
0x9: {  	s8 =	sshrl.u32 s4, $0x1;
	s6 =	sadd.s32 s6, s5;
	s7 =	sadd.s32 s7, s5  }
0xa: {  	s8 =	ssub.s32 s4, s8;
	s6 =	sadd.s32 $0x17800, s6;
	s4 =	sadd.s32 $0x3E00, s7  }
0xb: {  	v0 =	vimm.f32 $0.0e+00;
	s5 =	sadd.s32 $0xDA40, s7;
	s7 =	smax.u32 s8, $0x1;
	s8 =	simm.s32 $0xED00  }
.LBB2_1:
0xc: {  	[tilespmem:s3], [sflag:$0x1] =	stream.linear.gather [hbm4b:s2+s3], $0x4F00, $0x38;
	[tilespmem:$0x13C00] =	vst v63  }
0xd: {  	s16 =	sand.u32 $0x60, s3;
	s17 =	sand.u32 $0xFE00, s3  }
0xe: {  	[tilespmem:s8], [sflag:$0x2] =	stream.linear.gather [hbm4b:s4+s3], $0x2710, $0x38;
	[tilespmem:$0x13C00] =	vst v63  }
0xf: {  	s18 =	sand.u32 $0x3, s3;
	s16 =	sor.u32 s16, s17  }
0x10: {  	[tilespmem:s9], [sflag:$0x3] =	stream.linear.gather [hbm4b:s5+s3], $0x2710, $0x38;
	[tilespmem:$0x13C00] =	vst v63  }
0x11: {  	s31 =	sshll.u32 s18, $0x5;
	[tilespmem:s16+$0x4F00] =	vst v0  }
0x12: {  	s18 =	sadd.s32 $0x0, s31;
	[tilespmem:s16+$0x4F80] =	vst v0  }
0x13: {  	s17 =	sor.u32 $0x180, s18;
	[tilespmem:s16+$0x5000] =	vst v0  }
0x14: {  	[tilespmem:s17+$0x4F00] =	vst v0  }
0x15: {  	s20 =	simm.s32 $0x20;
	s19 =	sadd.s32 $0x10, s18;
	s18 =	simm.s32 $0x1;
	[tilespmem:s16+$0x4F90] =	vst v0  }
0x16: {  	s21 =	sor.u32 $0x180, s19;
	s19 =	simm.s32 $0x80;
	s17 =	simm.s32 $0x0;
	[tilespmem:s16+$0x4F10] =	vst v0  }
.LBB2_2:
0x17: {  	s22 =	sand.u32 $0x60, s20;
	s23 =	sand.u32 $0xFE00, s19;
	s17 =	sadd.s32 $0x2, s17;
	[tilespmem:s16+$0x5010] =	vst v0  }
0x18: {  	s24 =	sand.u32 $0x3, s18;
	s16 =	sor.u32 s22, s23;
	p0 =	slt.u32 s17, $0x26E;
	[tilespmem:s21+$0x4F00] =	vst v0  }
0x19: {  	s21 =	sshll.u32 s24, $0x5;
	[tilespmem:s16+$0x4F00] =	vst v0  }
.Ltmp0:
0x1a: {  	s21 =	sadd.s32 s21, s19;
	[tilespmem:s16+$0x4F80] =	vst v0;
	(pc) =	sbr.rel @p0 .LBB2_2-.Ltmp0, $4  }
0x1b: {  	s22 =	sor.u32 $0x180, s21;
	s21 =	sadd.s32 $0x10, s21;
	[tilespmem:s16+$0x5000] =	vst v0  }
0x1c: {  	[tilespmem:s22+$0x4F00] =	vst v0  }
0x1d: {  	s18 =	sadd.s32 $0x1, s18;
	[tilespmem:s16+$0x4F90] =	vst v0  }
0x1e: {  	s20 =	sadd.s32 $0x20, s20;
	s19 =	sadd.s32 $0x80, s19;
	s21 =	sor.u32 $0x180, s21;
	[tilespmem:s16+$0x4F10] =	vst v0  }
0x1f: {  	[tilespmem:s16+$0x5010] =	vst v0  }
0x20: {  	[tilespmem:s21+$0x4F00] =	vst v0  }
0x21: {  	[tilespmem:$0xEB00] =	vst v0  }
0x22: {  	[tilespmem:$0xEB80] =	vst v0  }
0x23: {  	[tilespmem:$0xEC00] =	vst v0  }
0x24: {  	[tilespmem:$0xEC80] =	vst v0  }
0x25: {  	_ =	swait.ge [sflag:s10], $0x4F00  }
0x26: {  	[sflag:s10] =	ssyncset.done $0x0  }
0x27: {  	[sflag:s10] =	ssyncadd.s32 $0xFFFFB100  }
0x28: {  	_ =	swait.ge [sflag:s11], $0x2710  }
0x29: {  	[sflag:s11] =	ssyncset.done $0x0  }
0x2a: {  	[sflag:s11] =	ssyncadd.s32 $0xFFFFD8F0  }
0x2b: {  	_ =	swait.ge [sflag:s12], $0x2710  }
0x2c: {  	[sflag:s12] =	ssyncset.done $0x0  }
0x2d: {  	s16 =	simm.s32 $0x0;
	[sflag:s12] =	ssyncadd.s32 $0xFFFFD8F0  }
.LBB2_4:
0x2e: {  	s17 =	sshra.s32 s16, $0x2  }
0x2f: {  	v1 =	vld [tilespmem:s17+$0xED00];
	_ =	sdelay $0x4  }
0x30: {  	v2 =	vshll.u32 v1, $0x1  }
0x31: {  	v3 =	vld [tilespmem:s17+$0x11480];
	v1 =	vand.u32 $0x7F, v1;
	v2 =	vand.u32 $0xFFFFFF00, v2  }
0x32: {  	v1 =	vor.u32 v1, v2;
	_ =	sdelay $0x3  }
0x33: {  	v2 =	vshll.u32 v3, $0x2  }
0x34: {  	v3 =	vand.u32 $0x7F, v3;
	v2 =	vand.u32 $0xFFFFFE00, v2;
	v4 =	vld.idx.msk [tilespmem:v1+s3+$0x0], $0xffff  }
0x35: {  	v2 =	vor.u32 v3, v2  }
0x36: {  	v3 =	vor.u32 $0x80, v2  }
0x37: {  	v1 =	vor.u32 $0x80, v1;
	_ =	sdelay $0x1  }
0x38: {  	v5 =	vshll.u32 v4, $0x10  }
0x39: {  	v4 =	vand.u32 $0xFFFF0000, v4;
	[tilespmem:v2+s13+$0x0] =	vst.idx.add.f32.msk $0xffff, v5  }
0x3a: {  	[tilespmem:v3+s13+$0x0] =	vst.idx.add.f32.msk $0xffff, v4  }
0x3b: {  	v1 =	vld.idx.msk [tilespmem:v1+s3+$0x0], $0xffff  }
0x3c: {  	v3 =	vor.u32 $0x100, v2  }
0x3d: {  	v2 =	vor.u32 $0x180, v2;
	_ =	sdelay $0x2  }
0x3e: {  	v55 =	vshll.u32 v1, $0x10  }
0x3f: {  	v1 =	vand.u32 $0xFFFF0000, v1;
	[tilespmem:v3+s13+$0x0] =	vst.idx.add.f32.msk $0xffff, v55  }
0x40: {  	[tilespmem:v2+s13+$0x0] =	vst.idx.add.f32.msk $0xffff, v1  }
0x41: {  	v1 =	vld [tilespmem:s17+$0xED10];
	_ =	sdelay $0x4  }
0x42: {  	v2 =	vshll.u32 v1, $0x1  }
0x43: {  	v3 =	vld [tilespmem:s17+$0x11490];
	v1 =	vand.u32 $0x7F, v1;
	v2 =	vand.u32 $0xFFFFFF00, v2  }
0x44: {  	v1 =	vor.u32 v1, v2;
	_ =	sdelay $0x3  }
0x45: {  	v2 =	vshll.u32 v3, $0x2  }
0x46: {  	v3 =	vand.u32 $0x7F, v3;
	v2 =	vand.u32 $0xFFFFFE00, v2;
	v4 =	vld.idx.msk [tilespmem:v1+s3+$0x0], $0xffff  }
0x47: {  	v2 =	vor.u32 v3, v2  }
0x48: {  	v3 =	vor.u32 $0x80, v2  }
0x49: {  	v1 =	vor.u32 $0x80, v1;
	_ =	sdelay $0x1  }
0x4a: {  	v56 =	vshll.u32 v4, $0x10  }
0x4b: {  	v4 =	vand.u32 $0xFFFF0000, v4;
	[tilespmem:v2+s13+$0x0] =	vst.idx.add.f32.msk $0xffff, v56  }
0x4c: {  	[tilespmem:v3+s13+$0x0] =	vst.idx.add.f32.msk $0xffff, v4  }
0x4d: {  	v1 =	vld.idx.msk [tilespmem:v1+s3+$0x0], $0xffff  }
0x4e: {  	v3 =	vor.u32 $0x100, v2  }
0x4f: {  	v2 =	vor.u32 $0x180, v2;
	_ =	sdelay $0x2  }
0x50: {  	v57 =	vshll.u32 v1, $0x10  }
0x51: {  	v1 =	vand.u32 $0xFFFF0000, v1;
	[tilespmem:v3+s13+$0x0] =	vst.idx.add.f32.msk $0xffff, v57  }
0x52: {  	[tilespmem:v2+s13+$0x0] =	vst.idx.add.f32.msk $0xffff, v1  }
0x53: {  	v1 =	vld [tilespmem:s17+$0xED20];
	_ =	sdelay $0x4  }
0x54: {  	v2 =	vshll.u32 v1, $0x1  }
0x55: {  	v3 =	vld [tilespmem:s17+$0x114A0];
	v1 =	vand.u32 $0x7F, v1;
	v2 =	vand.u32 $0xFFFFFF00, v2  }
0x56: {  	v1 =	vor.u32 v1, v2;
	_ =	sdelay $0x3  }
0x57: {  	v2 =	vshll.u32 v3, $0x2  }
0x58: {  	v3 =	vand.u32 $0x7F, v3;
	v2 =	vand.u32 $0xFFFFFE00, v2;
	v4 =	vld.idx.msk [tilespmem:v1+s3+$0x0], $0xffff  }
0x59: {  	v2 =	vor.u32 v3, v2  }
0x5a: {  	v3 =	vor.u32 $0x80, v2  }
0x5b: {  	v1 =	vor.u32 $0x80, v1;
	_ =	sdelay $0x1  }
0x5c: {  	v58 =	vshll.u32 v4, $0x10  }
0x5d: {  	v4 =	vand.u32 $0xFFFF0000, v4;
	[tilespmem:v2+s13+$0x0] =	vst.idx.add.f32.msk $0xffff, v58  }
0x5e: {  	[tilespmem:v3+s13+$0x0] =	vst.idx.add.f32.msk $0xffff, v4  }
0x5f: {  	v1 =	vld.idx.msk [tilespmem:v1+s3+$0x0], $0xffff  }
0x60: {  	v3 =	vor.u32 $0x100, v2  }
0x61: {  	v2 =	vor.u32 $0x180, v2;
	_ =	sdelay $0x2  }
0x62: {  	v59 =	vshll.u32 v1, $0x10  }
0x63: {  	v1 =	vand.u32 $0xFFFF0000, v1;
	[tilespmem:v3+s13+$0x0] =	vst.idx.add.f32.msk $0xffff, v59  }
0x64: {  	[tilespmem:v2+s13+$0x0] =	vst.idx.add.f32.msk $0xffff, v1  }
0x65: {  	v1 =	vld [tilespmem:s17+$0xED30];
	_ =	sdelay $0x4  }
0x66: {  	v2 =	vshll.u32 v1, $0x1  }
0x67: {  	v3 =	vld [tilespmem:s17+$0x114B0];
	v1 =	vand.u32 $0x7F, v1;
	v2 =	vand.u32 $0xFFFFFF00, v2  }
0x68: {  	v1 =	vor.u32 v1, v2;
	_ =	sdelay $0x3  }
0x69: {  	v2 =	vshll.u32 v3, $0x2  }
0x6a: {  	v3 =	vand.u32 $0x7F, v3;
	v2 =	vand.u32 $0xFFFFFE00, v2;
	v4 =	vld.idx.msk [tilespmem:v1+s3+$0x0], $0xffff  }
0x6b: {  	v2 =	vor.u32 v3, v2  }
0x6c: {  	v3 =	vor.u32 $0x80, v2  }
0x6d: {  	v1 =	vor.u32 $0x80, v1;
	_ =	sdelay $0x1  }
0x6e: {  	v60 =	vshll.u32 v4, $0x10  }
0x6f: {  	v4 =	vand.u32 $0xFFFF0000, v4;
	[tilespmem:v2+s13+$0x0] =	vst.idx.add.f32.msk $0xffff, v60  }
0x70: {  	[tilespmem:v3+s13+$0x0] =	vst.idx.add.f32.msk $0xffff, v4  }
0x71: {  	v1 =	vld.idx.msk [tilespmem:v1+s3+$0x0], $0xffff  }
0x72: {  	v3 =	vor.u32 $0x100, v2  }
0x73: {  	v2 =	vor.u32 $0x180, v2;
	_ =	sdelay $0x2  }
0x74: {  	v61 =	vshll.u32 v1, $0x10  }
0x75: {  	v1 =	vand.u32 $0xFFFF0000, v1;
	[tilespmem:v3+s13+$0x0] =	vst.idx.add.f32.msk $0xffff, v61  }
0x76: {  	[tilespmem:v2+s13+$0x0] =	vst.idx.add.f32.msk $0xffff, v1  }
0x77: {  	v1 =	vld [tilespmem:s17+$0xED40];
	_ =	sdelay $0x4  }
0x78: {  	v2 =	vshll.u32 v1, $0x1  }
0x79: {  	v3 =	vld [tilespmem:s17+$0x114C0];
	v1 =	vand.u32 $0x7F, v1;
	v2 =	vand.u32 $0xFFFFFF00, v2  }
0x7a: {  	v1 =	vor.u32 v1, v2;
	_ =	sdelay $0x3  }
0x7b: {  	v2 =	vshll.u32 v3, $0x2  }
0x7c: {  	v3 =	vand.u32 $0x7F, v3;
	v2 =	vand.u32 $0xFFFFFE00, v2;
	v4 =	vld.idx.msk [tilespmem:v1+s3+$0x0], $0xffff  }
0x7d: {  	v2 =	vor.u32 v3, v2  }
0x7e: {  	v3 =	vor.u32 $0x80, v2  }
0x7f: {  	v1 =	vor.u32 $0x80, v1;
	_ =	sdelay $0x1  }
0x80: {  	v62 =	vshll.u32 v4, $0x10  }
0x81: {  	v4 =	vand.u32 $0xFFFF0000, v4;
	[tilespmem:v2+s13+$0x0] =	vst.idx.add.f32.msk $0xffff, v62  }
0x82: {  	[tilespmem:v3+s13+$0x0] =	vst.idx.add.f32.msk $0xffff, v4  }
0x83: {  	v1 =	vld.idx.msk [tilespmem:v1+s3+$0x0], $0xffff  }
0x84: {  	v3 =	vor.u32 $0x100, v2  }
0x85: {  	p0 =	sne.s32 s16, $0x9B00;
	v2 =	vor.u32 $0x180, v2  }
.Ltmp1:
0x86: {  	_ = 	snop;
	(pc) =	sbr.rel @p0 .LBB2_4-.Ltmp1, $4  }
0x87: {  	_ = 	snop  }
0x88: {  	v63 =	vshll.u32 v1, $0x10  }
0x89: {  	v1 =	vand.u32 $0xFFFF0000, v1;
	[tilespmem:v3+s13+$0x0] =	vst.idx.add.f32.msk $0xffff, v63  }
0x8a: {  	s16 =	sadd.s32 $0x140, s16;
	[tilespmem:v2+s13+$0x0] =	vst.idx.add.f32.msk $0xffff, v1  }
0x8b: {  	s15 =	sadd.s32 $0x1, s15  }
0x8c: {  	p0 =	sne.s32 s15, s7  }
.Ltmp2:
0x8d: {  	_ = 	snop;
	(pc) =	sbr.rel @p0 .LBB2_1-.Ltmp2, $4  }
0x8e: {  	[hbm4b:s6+s3] =	stream.linear.scatter [tilespmem:s13], [sflag:$0x4], $0x9E00, $0x38;
	[tilespmem:$0x13C00] =	vst v63  }
0x8f: {  	_ =	swait.ge [sflag:s14], $0x9E00  }
0x90: {  	[sflag:s14] =	ssyncset.done $0x0  }
0x91: {  	[sflag:s14] =	ssyncadd.s32 $0xFFFF6200  }
0x92: {  	_ =	sfence.sel $0x180000  }
0x93: {  	[bflag:$0x0] =	sbarrier.arrive $0xFFFF  }
0x94: {  	p0 =	sne.s32 s0, $0x0;
	_ =	strace $0x9000004A  }
0x95: {  	s0 =	sadd.s32 @!p0 $0x100000, s1;
	[bflag:$0x2] =	sbarrier.arrive $0xFFFF  }
0x96: {  	[sflag:s0] =	ssyncadd.tile.s32 @!p0 $0x1;
	_ =	shalt  }
.Lfunc_end2:
_tile_overlayer_lowered:
.L_overlay_start_2:
0x97: {  	(tag) =	ssettag $0x2  }
0x98: {  	s0 =	rddreg [dreg:$0x0];
	s2 =	stileid.u32  }
0x99: {  	s1 =	rddreg [dreg:$0x1];
	p0 =	sne.s32 s2, $0x0  }
0x9a: {  	s3 =	rddreg [dreg:$0x2];
	[bflag:$0x3] =	sbarrier.arrive $0xFFFF;
	s2 =	simm.s32 @!p0 $0x1C04  }
0x9b: {  	[timem:s3], [sflag:s2] =	dma.local @!p0 [hbm:s0], s1  }
0x9c: {  	s0 =	simm.s32 @!p0 $0x4  }
0x9d: {  	_ =	swait.ge @!p0 [sflag:s0], s1  }
0x9e: {  	s1 =	ssub.s32 @!p0 $0x0, s1;
	[sflag:s0] =	ssyncset.done @!p0 $0x0  }
0x9f: {  	[sflag:s0] =	ssyncadd.s32 @!p0 s1  }
0xa0: {  	[bflag:$0x3] =	sbarrier.arrive $0xFFFF  }
0xa1: {  	_ =	shalt  }

// kernel: kernel.17.cloned.1.call-start
scs
__scs_entry_jumppad:
0x0: {  	(pc) =	sbr.rel $0x88, $3  }
0x1: {  	(tag) =	ssettag $0x0;
	lr =	simm.s32 $0x1  }
0x2: {  	[smem:$0x3F97] =	sst lr;
	_ =	strace $0xD0000000  }
0x3: {  	_ = 	snop  }
0x4: {  	_ = 	snop  }
0x5: {  	_ = 	snop  }
0x6: {  	_ = 	snop  }
0x7: {  	_ = 	snop  }
__scs_overlays_trampoline_lowered:
0x8: {  	[smem:$0x3FA6] =	sst s0  }
0x9: {  	[smem:$0x3FA7] =	sst s1  }
0xa: {  	[smem:$0x3FA8] =	sst s2  }
0xb: {  	[smem:$0x3FA9] =	sst s3  }
0xc: {  	[smem:$0x3FAA] =	sst s4  }
0xd: {  	[smem:$0x3FAB] =	sst s5  }
0xe: {  	[smem:$0x3FAC] =	sst s6  }
0xf: {  	[smem:$0x3FAD] =	sst s7  }
0x10: {  	[smem:$0x3FAE] =	sst s8  }
0x11: {  	[smem:$0x3FAF] =	sst s9;
	s0 =	simm.s32 @!p0 $0x0  }
0x12: {  	s1 =	sld [smem:$0x3F95];
	s0 =	simm.s32 @p0 $0x1  }
0x13: {  	[smem:$0x3FB0] =	sst s0;
	s0 =	simm.s32 @!p1 $0x0  }
0x14: {  	s2 =	sld [smem:$0x3F94];
	s0 =	simm.s32 @p1 $0x1  }
0x15: {  	[smem:$0x3FB1] =	sst s0;
	s0 =	simm.s32 @!p2 $0x0  }
0x16: {  	s3 =	sld [smem:$0x3FDB];
	s0 =	simm.s32 @p2 $0x1  }
0x17: {  	s4 =	simm.s32 $0x1BF5;
	[smem:$0x3FB3] =	sst s0  }
0x18: {  	s0 =	sld [smem:$0x3F96];
	_ =	swait.ge [sflag:s4], $0x0  }
0x19: {  	s7 =	sld [smem:$0x3F97]  }
0x1a: {  	s8 =	sadd.s32 $0xFFFFE003, lr  }
0x1b: {  	s9 =	sadd.s32 $0xFFFFFEF7, lr;
	s5 =	simm.s32 $0xFFFFFFFF;
	p2 =	slt.u32 s8, $0xFFFFF086  }
0x1c: {  	p1 =	slt.u32 s9, $0xF7A;
	s5 =	simm.s32 @!p2 $0x0  }
0x1d: {  	s5 =	simm.s32 @p1 $0x1;
	p0 =	seq.s32 s7, s2  }
0x1e: {  	s7 =	smul.u32 @!p0 $0xF7A, s2;
	p2 =	seq.s32 @!p0 s5, $0x0  }
0x1f: {  	s9 =	smul.u32 $0xF7A, s1;
	s8 =	simm.s32 @!p0 $0x1BF5;
	p2 =	por !p2, p0  }
0x20: {  	[sflag:s8] =	ssyncset.s32 @!p0 $0xFFFFF086;
	s6 =	sadd.s32 @!p0 s3, s7;
	s7 =	simm.s32 @!p0 $0x108  }
0x21: {  	s3 =	sadd.s32 s3, s9;
	s6 =	sadd.s32 @!p0 $0x88, s6;
	s7 =	simm.s32 @p2 $0x1082  }
0x22: {  	[simem:s7], [sflag:s8] =	dma.local @!p0 [hbm:s6], $0xF7A  }
0x23: {  	s9 =	sor.u32 $0xD0000000, s2;
	s6 =	simm.s32 $0x108;
	_ =	swait.ge @!p0 [sflag:s8], $0x0  }
0x24: {  	s3 =	sadd.s32 $0x88, s3;
	s6 =	simm.s32 @!p1 $0x1082;
	[sflag:s4] =	ssyncset.s32 $0xFFFFF086  }
0x25: {  	[simem:s6], [sflag:s4] =	dma.local [hbm:s3], $0xF7A  }
0x26: {  	[smem:$0x3F97] =	sst s1;
	(tag) =	ssettag s2;
	_ =	strace s9  }
0x27: {  	s1 =	sld [smem:$0x3FA7]  }
0x28: {  	s2 =	sld [smem:$0x3FA8]  }
0x29: {  	s4 =	sld [smem:$0x3FAA]  }
0x2a: {  	p0 =	seq.s32 s5, $0x0;
	s5 =	sld [smem:$0x3FAB]  }
0x2b: {  	s6 =	sld [smem:$0x3FAC]  }
0x2c: {  	s7 =	sld [smem:$0x3FAD]  }
0x2d: {  	s3 =	simm.s32 $0x108;
	s8 =	sld [smem:$0x3FAE]  }
0x2e: {  	s3 =	simm.s32 @!p0 $0x1082;
	s9 =	sld [smem:$0x3FAF]  }
0x2f: {  	lr =	sadd.s32 s0, s3;
	s0 =	sld [smem:$0x3FA6]  }
0x30: {  	s3 =	sld [smem:$0x3FA9]  }
0x31: {  	[smem:$0x3FB2] =	sst s10  }
0x32: {  	s10 =	sld [smem:$0x3FB0];
	_ =	sdelay $0x3  }
0x33: {  	p0 =	seq.s32 s10, $0x1;
	s10 =	sld [smem:$0x3FB2];
	_ =	sdelay $0x3  }
0x34: {  	[smem:$0x3FB2] =	sst s10  }
0x35: {  	s10 =	sld [smem:$0x3FB1];
	_ =	sdelay $0x3  }
0x36: {  	p1 =	seq.s32 s10, $0x1;
	s10 =	sld [smem:$0x3FB2];
	_ =	sdelay $0x3  }
0x37: {  	[smem:$0x3FB2] =	sst s10  }
0x38: {  	s10 =	sld [smem:$0x3FB3]  }
0x39: {  	_ = 	snop;
	(pc) =	sbr.ind lr, $3  }
0x3a: {  	_ = 	snop  }
0x3b: {  	_ = 	snop  }
0x3c: {  	p2 =	seq.s32 s10, $0x1;
	s10 =	sld [smem:$0x3FB2]  }
0x3d: {  	_ =	shalt  }
0x3e: {  	_ =	shalt  }
0x3f: {  	_ =	shalt  }
0x40: {  	_ =	shalt  }
0x41: {  	_ =	shalt  }
0x42: {  	_ =	shalt  }
0x43: {  	_ =	shalt  }
0x44: {  	_ =	shalt  }
0x45: {  	_ =	shalt  }
0x46: {  	_ =	shalt  }
0x47: {  	_ =	shalt  }
0x48: {  	_ =	shalt  }
0x49: {  	_ =	shalt  }
0x4a: {  	_ =	shalt  }
0x4b: {  	_ =	shalt  }
0x4c: {  	_ =	shalt  }
0x4d: {  	_ =	shalt  }
0x4e: {  	_ =	shalt  }
0x4f: {  	_ =	shalt  }
0x50: {  	_ =	shalt  }
0x51: {  	_ =	shalt  }
0x52: {  	_ =	shalt  }
0x53: {  	_ =	shalt  }
0x54: {  	_ =	shalt  }
0x55: {  	_ =	shalt  }
0x56: {  	_ =	shalt  }
0x57: {  	_ =	shalt  }
0x58: {  	_ =	shalt  }
0x59: {  	_ =	shalt  }
0x5a: {  	_ =	shalt  }
0x5b: {  	_ =	shalt  }
0x5c: {  	_ =	shalt  }
0x5d: {  	_ =	shalt  }
0x5e: {  	_ =	shalt  }
0x5f: {  	_ =	shalt  }
0x60: {  	_ =	shalt  }
0x61: {  	_ =	shalt  }
0x62: {  	_ =	shalt  }
0x63: {  	_ =	shalt  }
0x64: {  	_ =	shalt  }
0x65: {  	_ =	shalt  }
0x66: {  	_ =	shalt  }
0x67: {  	_ =	shalt  }
0x68: {  	_ =	shalt  }
0x69: {  	_ =	shalt  }
0x6a: {  	_ =	shalt  }
0x6b: {  	_ =	shalt  }
0x6c: {  	_ =	shalt  }
0x6d: {  	_ =	shalt  }
0x6e: {  	_ =	shalt  }
0x6f: {  	_ =	shalt  }
0x70: {  	_ =	shalt  }
0x71: {  	_ =	shalt  }
0x72: {  	_ =	shalt  }
0x73: {  	_ =	shalt  }
0x74: {  	_ =	shalt  }
0x75: {  	_ =	shalt  }
0x76: {  	_ =	shalt  }
0x77: {  	_ =	shalt  }
0x78: {  	_ =	shalt  }
0x79: {  	_ =	shalt  }
0x7a: {  	_ =	shalt  }
0x7b: {  	_ =	shalt  }
0x7c: {  	_ =	shalt  }
0x7d: {  	_ =	shalt  }
0x7e: {  	_ =	shalt  }
0x7f: {  	_ =	shalt  }
0x80: {  	_ =	shalt  }
0x81: {  	_ =	shalt  }
0x82: {  	_ =	shalt  }
0x83: {  	_ =	shalt  }
0x84: {  	_ =	shalt  }
0x85: {  	_ =	shalt  }
0x86: {  	_ =	shalt  }
0x87: {  	_ =	shalt  }
.Lfunc_end0:
.L_simem_size_0:
called_computation.2_lowered:
.L_overlay_start_0:
0x88: {  	s2 =	sld [smem:$0x3FD9]  }
0x89: {  	s3 =	sld [smem:$0x3FFE];
	_ =	sdelay $0x1  }
0x8a: {  	s1 =	srdreg.scid  }
0x8b: {  	s0 =	sand.u32 $0x1, s1  }
0x8c: {  	s14 =	sshll.u32 s0, $0xA;
	s2 =	sadd.s32 s3, s2  }
0x8d: {  	s2 =	sadd.s32 s2, s14  }
0x8e: {  	[smem:$0x3FBE] =	sst s2  }
0x8f: {  	_ = 	snop  }
0x90: {  	s2 =	sld [smem:$0x3FD0];
	_ =	sdelay $0x2  }
0x91: {  	s15 =	simm.s32 $0xA;
	s4 =	simm.s32 $0x10  }
0x92: {  	[smem:s4], [sflag:s15] =	dma.local [hbm:s2], $0x1  }
0x93: {  	_ =	swait.eq [sflag:s15], $0x1  }
0x94: {  	[sflag:s15] =	ssyncset.done $0x0  }
0x95: {  	[sflag:s15] =	ssyncadd.s32 $0xFFFFFFFF  }
0x96: {  	s16 =	sld [smem:$0x11];
	(tm) =	ssettm $0x1  }
0x97: {  	s17 =	sld [smem:$0x3FFB];
	_ =	sdelay $0x3  }
0x98: {  	_ =	strace s17  }
0x99: {  	s3 =	sld [smem:$0x3FFC];
	_ =	sdelay $0x3  }
0x9a: {  	_ =	strace s3  }
0x9b: {  	s3 =	sld [smem:$0x3FFD];
	_ =	sdelay $0x3  }
0x9c: {  	_ =	strace s3  }
0x9d: {  	_ =	strace $0x8FFFFFFF  }
0x9e: {  	s18 =	sld [smem:$0x3FDB];
	_ =	sdelay $0x1  }
0x9f: {  	s19 =	simm.s32 $_scs_section_size  }
0xa0: {  	s5 =	simm.s32 $_size__tile_overlayer_lowered;
	s6 =	simm.s32 $_tile_overlayer_lowered  }
0xa1: {  	s22 =	simm.s32 $0x1BFF;
	s21 =	sshll.u32 s6, $0x1;
	s3 =	sadd.s32 s19, s18  }
0xa2: {  	s7 =	simm.s32 $0x0;
	s20 =	sshll.u32 s5, $0x1;
	s5 =	sadd.s32 s21, s3  }
0xa3: {  	[timem:s7], [sflag:s22] =	dma.local [hbm:s5], s20  }
0xa4: {  	_ =	swait.ge [sflag:s22], s20  }
0xa5: {  	s4 =	ssub.s32 $0x0, s20;
	[sflag:s22] =	ssyncset.done $0x0  }
0xa6: {  	[sflag:s22] =	ssyncadd.s32 s4;
	_ =	sdelay $0x1  }
0xa7: {  	s23 =	simm.s32 $0x1B8B  }
0xa8: {  	_ =	swait.ge [sflag:s23], $0x1  }
0xa9: {  	[sflag:s23] =	ssyncset.done $0x0  }
0xaa: {  	s25 =	simm.s32 $0x1B8E;
	s24 =	sld [smem:$0x3FFE];
	[sflag:s23] =	ssyncadd.s32 $0xFFFFFFFF  }
0xab: {  	s26 =	simm.s32 $execute0_lowered;
	[smem:$0x3FD2] =	sst s25  }
0xac: {  	s5 =	sshll.u32 s26, $0x1;
	_ =	strace $0x8000004C;
	[dreg:$0x1] =	wrdreg $0xFFFFFFFF  }
0xad: {  	s28 =	simm.s32 $_size_execute0_lowered;
	s3 =	sadd.s32 s3, s5;
	[dreg:$0x0] =	wrdreg $0x0  }
0xae: {  	s5 =	sshll.u32 s28, $0x1;
	[dreg:$0x2] =	wrdreg s3  }
0xaf: {  	[dreg:$0x3] =	wrdreg s5  }
0xb0: {  	[dreg:$0x4] =	wrdreg $0xC0  }
0xb1: {  	_ =	task [dreg:s7], $0x5FFFF  }
0xb2: {  	[dreg:$0x1] =	wrdreg $0xFFFFFFFF  }
0xb3: {  	[dreg:$0x0] =	wrdreg $0x60  }
0xb4: {  	[dreg:$0x2] =	wrdreg s16  }
0xb5: {  	[dreg:$0x3] =	wrdreg s24  }
0xb6: {  	[dreg:$0x4] =	wrdreg $0x9  }
0xb7: {  	_ =	task.clear_ibuf [dreg:s7], $0x5FFFF;
	_ =	strace $0x9000004C  }
0xb8: {  	s29 =	simm.s32 $0x9;
	_ =	strace $0x8000004E  }
0xb9: {  	_ =	swait.ge [sflag:s29], $0x1  }
0xba: {  	[sflag:s29] =	ssyncadd.s32 $0xFFFFFFFF  }
0xbb: {  	_ =	strace $0x9000004E  }
0xbc: {  	_ =	sfence  }
0xbd: {  	s30 =	sld [smem:$0x0];
	_ =	sdelay $0x2  }
0xbe: {  	s31 =	sshll.u32 s1, $0xD;
	s1 =	sshrl.u32 s1, $0x2  }
0xbf: {  	s3 =	sand.u32 $0x4000, s31;
	s1 =	sadd.s32 s1, s30  }
0xc0: {  	s0 =	sor.u32 s3, s0;
	s1 =	sshll.u32 s1, $0x11  }
0xc1: {  	s0 =	sor.u32 s1, s0  }
0xc2: {  	s0 =	sadd.s32 $0x8F2B, s0  }
0xc3: {  	[sflag:s0] =	ssyncadd.remote.s32 $0x1  }
0xc4: {  	_ =	sfence.sel $0xFFFF  }
0xc5: {  	[dreg:$0x0] =	wrdreg $0xFFFFFFFF;
	(pc) =	sbr.abs _section_cstart, $3  }
0xc6: {  	[dreg:$0x1] =	wrdreg $0xFFFFFFFF  }
0xc7: {  	_ =	task.clear_ibuf [dreg:s7], $0x2FFFF;
	_ =	strace $0x9FFFFFFF  }
0xc8: {  	(tm) =	ssettm $0x7FFFFFFF  }
0xc9: {  	_ =	shalt  }
tec
execute0_lowered:
.L_overlay_start_1:
0x0: {  	(tag) =	ssettag $0x1  }
0x1: {  	s1 =	srdreg.scid;
	s2 =	rddreg [dreg:$0x0]  }
0x2: {  	s0 =	stileid.u32;
	s5 =	rddreg [dreg:$0x1]  }
0x3: {  	s3 =	simm.s32 $0x0;
	s9 =	simm.s32 $0x11480;
	s10 =	simm.s32 $0x1  }
0x4: {  	s11 =	simm.s32 $0x2;
	s4 =	sand.u32 $0x1, s1;
	s31 =	sshll.u32 s0, $0x1  }
0x5: {  	s12 =	simm.s32 $0x3;
	s13 =	simm.s32 $0x4F00;
	s6 =	sor.u32 s4, s31  }
0x6: {  	s14 =	simm.s32 $0x4;
	s1 =	rddreg [dreg:$0x2];
	s7 =	smul.u32 $0x2710, s6  }
0x7: {  	s15 =	simm.s32 $0x0;
	[smem:$0x7FF] =	sst s3;
	s6 =	smul.u32 $0x13C0, s6  }
0x8: {  	s4 =	ssub.s32 $0x2, s4;
	_ =	strace $0x8000004D;
	s7 =	sshrl.u32 s7, $0x3  }
0x9: {  	s8 =	sshrl.u32 s4, $0x1;
	s6 =	sadd.s32 s6, s5;
	s7 =	sadd.s32 s7, s5  }
0xa: {  	s8 =	ssub.s32 s4, s8;
	s6 =	sadd.s32 $0x17800, s6;
	s4 =	sadd.s32 $0x3E00, s7  }
0xb: {  	v0 =	vimm.f32 $0.0e+00;
	s5 =	sadd.s32 $0xDA40, s7;
	s7 =	smax.u32 s8, $0x1;
	s8 =	simm.s32 $0xED00  }
.LBB2_1:
0xc: {  	[tilespmem:s3], [sflag:$0x1] =	stream.linear.gather [hbm4b:s2+s3], $0x4F00, $0x38;
	[tilespmem:$0x13C00] =	vst v63  }
0xd: {  	s16 =	sand.u32 $0x60, s3;
	s17 =	sand.u32 $0xFE00, s3  }
0xe: {  	[tilespmem:s8], [sflag:$0x2] =	stream.linear.gather [hbm4b:s4+s3], $0x2710, $0x38;
	[tilespmem:$0x13C00] =	vst v63  }
0xf: {  	s18 =	sand.u32 $0x3, s3;
	s16 =	sor.u32 s16, s17  }
0x10: {  	[tilespmem:s9], [sflag:$0x3] =	stream.linear.gather [hbm4b:s5+s3], $0x2710, $0x38;
	[tilespmem:$0x13C00] =	vst v63  }
0x11: {  	s31 =	sshll.u32 s18, $0x5;
	[tilespmem:s16+$0x4F00] =	vst v0  }
0x12: {  	s18 =	sadd.s32 $0x0, s31;
	[tilespmem:s16+$0x4F80] =	vst v0  }
0x13: {  	s17 =	sor.u32 $0x180, s18;
	[tilespmem:s16+$0x5000] =	vst v0  }
0x14: {  	[tilespmem:s17+$0x4F00] =	vst v0  }
0x15: {  	s20 =	simm.s32 $0x20;
	s19 =	sadd.s32 $0x10, s18;
	s18 =	simm.s32 $0x1;
	[tilespmem:s16+$0x4F90] =	vst v0  }
0x16: {  	s21 =	sor.u32 $0x180, s19;
	s19 =	simm.s32 $0x80;
	s17 =	simm.s32 $0x0;
	[tilespmem:s16+$0x4F10] =	vst v0  }
.LBB2_2:
0x17: {  	s22 =	sand.u32 $0x60, s20;
	s23 =	sand.u32 $0xFE00, s19;
	s17 =	sadd.s32 $0x2, s17;
	[tilespmem:s16+$0x5010] =	vst v0  }
0x18: {  	s24 =	sand.u32 $0x3, s18;
	s16 =	sor.u32 s22, s23;
	p0 =	slt.u32 s17, $0x26E;
	[tilespmem:s21+$0x4F00] =	vst v0  }
0x19: {  	s21 =	sshll.u32 s24, $0x5;
	[tilespmem:s16+$0x4F00] =	vst v0  }
.Ltmp0:
0x1a: {  	s21 =	sadd.s32 s21, s19;
	[tilespmem:s16+$0x4F80] =	vst v0;
	(pc) =	sbr.rel @p0 .LBB2_2-.Ltmp0, $4  }
0x1b: {  	s22 =	sor.u32 $0x180, s21;
	s21 =	sadd.s32 $0x10, s21;
	[tilespmem:s16+$0x5000] =	vst v0  }
0x1c: {  	[tilespmem:s22+$0x4F00] =	vst v0  }
0x1d: {  	s18 =	sadd.s32 $0x1, s18;
	[tilespmem:s16+$0x4F90] =	vst v0  }
0x1e: {  	s20 =	sadd.s32 $0x20, s20;
	s19 =	sadd.s32 $0x80, s19;
	s21 =	sor.u32 $0x180, s21;
	[tilespmem:s16+$0x4F10] =	vst v0  }
0x1f: {  	[tilespmem:s16+$0x5010] =	vst v0  }
0x20: {  	[tilespmem:s21+$0x4F00] =	vst v0  }
0x21: {  	[tilespmem:$0xEB00] =	vst v0  }
0x22: {  	[tilespmem:$0xEB80] =	vst v0  }
0x23: {  	[tilespmem:$0xEC00] =	vst v0  }
0x24: {  	[tilespmem:$0xEC80] =	vst v0  }
0x25: {  	_ =	swait.ge [sflag:s10], $0x4F00  }
0x26: {  	[sflag:s10] =	ssyncset.done $0x0  }
0x27: {  	[sflag:s10] =	ssyncadd.s32 $0xFFFFB100  }
0x28: {  	_ =	swait.ge [sflag:s11], $0x2710  }
0x29: {  	[sflag:s11] =	ssyncset.done $0x0  }
0x2a: {  	[sflag:s11] =	ssyncadd.s32 $0xFFFFD8F0  }
0x2b: {  	_ =	swait.ge [sflag:s12], $0x2710  }
0x2c: {  	[sflag:s12] =	ssyncset.done $0x0  }
0x2d: {  	s16 =	simm.s32 $0x0;
	[sflag:s12] =	ssyncadd.s32 $0xFFFFD8F0  }
.LBB2_4:
0x2e: {  	s17 =	sshra.s32 s16, $0x2  }
0x2f: {  	v1 =	vld [tilespmem:s17+$0xED00];
	_ =	sdelay $0x4  }
0x30: {  	v2 =	vshll.u32 v1, $0x1  }
0x31: {  	v3 =	vld [tilespmem:s17+$0x11480];
	v1 =	vand.u32 $0x7F, v1;
	v2 =	vand.u32 $0xFFFFFF00, v2  }
0x32: {  	v1 =	vor.u32 v1, v2;
	_ =	sdelay $0x3  }
0x33: {  	v2 =	vshll.u32 v3, $0x2  }
0x34: {  	v3 =	vand.u32 $0x7F, v3;
	v2 =	vand.u32 $0xFFFFFE00, v2;
	v4 =	vld.idx.msk [tilespmem:v1+s3+$0x0], $0xffff  }
0x35: {  	v2 =	vor.u32 v3, v2  }
0x36: {  	v3 =	vor.u32 $0x80, v2  }
0x37: {  	v1 =	vor.u32 $0x80, v1;
	_ =	sdelay $0x1  }
0x38: {  	v5 =	vshll.u32 v4, $0x10  }
0x39: {  	v4 =	vand.u32 $0xFFFF0000, v4;
	[tilespmem:v2+s13+$0x0] =	vst.idx.add.f32.msk $0xffff, v5  }
0x3a: {  	[tilespmem:v3+s13+$0x0] =	vst.idx.add.f32.msk $0xffff, v4  }
0x3b: {  	v1 =	vld.idx.msk [tilespmem:v1+s3+$0x0], $0xffff  }
0x3c: {  	v3 =	vor.u32 $0x100, v2  }
0x3d: {  	v2 =	vor.u32 $0x180, v2;
	_ =	sdelay $0x2  }
0x3e: {  	v55 =	vshll.u32 v1, $0x10  }
0x3f: {  	v1 =	vand.u32 $0xFFFF0000, v1;
	[tilespmem:v3+s13+$0x0] =	vst.idx.add.f32.msk $0xffff, v55  }
0x40: {  	[tilespmem:v2+s13+$0x0] =	vst.idx.add.f32.msk $0xffff, v1  }
0x41: {  	v1 =	vld [tilespmem:s17+$0xED10];
	_ =	sdelay $0x4  }
0x42: {  	v2 =	vshll.u32 v1, $0x1  }
0x43: {  	v3 =	vld [tilespmem:s17+$0x11490];
	v1 =	vand.u32 $0x7F, v1;
	v2 =	vand.u32 $0xFFFFFF00, v2  }
0x44: {  	v1 =	vor.u32 v1, v2;
	_ =	sdelay $0x3  }
0x45: {  	v2 =	vshll.u32 v3, $0x2  }
0x46: {  	v3 =	vand.u32 $0x7F, v3;
	v2 =	vand.u32 $0xFFFFFE00, v2;
	v4 =	vld.idx.msk [tilespmem:v1+s3+$0x0], $0xffff  }
0x47: {  	v2 =	vor.u32 v3, v2  }
0x48: {  	v3 =	vor.u32 $0x80, v2  }
0x49: {  	v1 =	vor.u32 $0x80, v1;
	_ =	sdelay $0x1  }
0x4a: {  	v56 =	vshll.u32 v4, $0x10  }
0x4b: {  	v4 =	vand.u32 $0xFFFF0000, v4;
	[tilespmem:v2+s13+$0x0] =	vst.idx.add.f32.msk $0xffff, v56  }
0x4c: {  	[tilespmem:v3+s13+$0x0] =	vst.idx.add.f32.msk $0xffff, v4  }
0x4d: {  	v1 =	vld.idx.msk [tilespmem:v1+s3+$0x0], $0xffff  }
0x4e: {  	v3 =	vor.u32 $0x100, v2  }
0x4f: {  	v2 =	vor.u32 $0x180, v2;
	_ =	sdelay $0x2  }
0x50: {  	v57 =	vshll.u32 v1, $0x10  }
0x51: {  	v1 =	vand.u32 $0xFFFF0000, v1;
	[tilespmem:v3+s13+$0x0] =	vst.idx.add.f32.msk $0xffff, v57  }
0x52: {  	[tilespmem:v2+s13+$0x0] =	vst.idx.add.f32.msk $0xffff, v1  }
0x53: {  	v1 =	vld [tilespmem:s17+$0xED20];
	_ =	sdelay $0x4  }
0x54: {  	v2 =	vshll.u32 v1, $0x1  }
0x55: {  	v3 =	vld [tilespmem:s17+$0x114A0];
	v1 =	vand.u32 $0x7F, v1;
	v2 =	vand.u32 $0xFFFFFF00, v2  }
0x56: {  	v1 =	vor.u32 v1, v2;
	_ =	sdelay $0x3  }
0x57: {  	v2 =	vshll.u32 v3, $0x2  }
0x58: {  	v3 =	vand.u32 $0x7F, v3;
	v2 =	vand.u32 $0xFFFFFE00, v2;
	v4 =	vld.idx.msk [tilespmem:v1+s3+$0x0], $0xffff  }
0x59: {  	v2 =	vor.u32 v3, v2  }
0x5a: {  	v3 =	vor.u32 $0x80, v2  }
0x5b: {  	v1 =	vor.u32 $0x80, v1;
	_ =	sdelay $0x1  }
0x5c: {  	v58 =	vshll.u32 v4, $0x10  }
0x5d: {  	v4 =	vand.u32 $0xFFFF0000, v4;
	[tilespmem:v2+s13+$0x0] =	vst.idx.add.f32.msk $0xffff, v58  }
0x5e: {  	[tilespmem:v3+s13+$0x0] =	vst.idx.add.f32.msk $0xffff, v4  }
0x5f: {  	v1 =	vld.idx.msk [tilespmem:v1+s3+$0x0], $0xffff  }
0x60: {  	v3 =	vor.u32 $0x100, v2  }
0x61: {  	v2 =	vor.u32 $0x180, v2;
	_ =	sdelay $0x2  }
0x62: {  	v59 =	vshll.u32 v1, $0x10  }
0x63: {  	v1 =	vand.u32 $0xFFFF0000, v1;
	[tilespmem:v3+s13+$0x0] =	vst.idx.add.f32.msk $0xffff, v59  }
0x64: {  	[tilespmem:v2+s13+$0x0] =	vst.idx.add.f32.msk $0xffff, v1  }
0x65: {  	v1 =	vld [tilespmem:s17+$0xED30];
	_ =	sdelay $0x4  }
0x66: {  	v2 =	vshll.u32 v1, $0x1  }
0x67: {  	v3 =	vld [tilespmem:s17+$0x114B0];
	v1 =	vand.u32 $0x7F, v1;
	v2 =	vand.u32 $0xFFFFFF00, v2  }
0x68: {  	v1 =	vor.u32 v1, v2;
	_ =	sdelay $0x3  }
0x69: {  	v2 =	vshll.u32 v3, $0x2  }
0x6a: {  	v3 =	vand.u32 $0x7F, v3;
	v2 =	vand.u32 $0xFFFFFE00, v2;
	v4 =	vld.idx.msk [tilespmem:v1+s3+$0x0], $0xffff  }
0x6b: {  	v2 =	vor.u32 v3, v2  }
0x6c: {  	v3 =	vor.u32 $0x80, v2  }
0x6d: {  	v1 =	vor.u32 $0x80, v1;
	_ =	sdelay $0x1  }
0x6e: {  	v60 =	vshll.u32 v4, $0x10  }
0x6f: {  	v4 =	vand.u32 $0xFFFF0000, v4;
	[tilespmem:v2+s13+$0x0] =	vst.idx.add.f32.msk $0xffff, v60  }
0x70: {  	[tilespmem:v3+s13+$0x0] =	vst.idx.add.f32.msk $0xffff, v4  }
0x71: {  	v1 =	vld.idx.msk [tilespmem:v1+s3+$0x0], $0xffff  }
0x72: {  	v3 =	vor.u32 $0x100, v2  }
0x73: {  	v2 =	vor.u32 $0x180, v2;
	_ =	sdelay $0x2  }
0x74: {  	v61 =	vshll.u32 v1, $0x10  }
0x75: {  	v1 =	vand.u32 $0xFFFF0000, v1;
	[tilespmem:v3+s13+$0x0] =	vst.idx.add.f32.msk $0xffff, v61  }
0x76: {  	[tilespmem:v2+s13+$0x0] =	vst.idx.add.f32.msk $0xffff, v1  }
0x77: {  	v1 =	vld [tilespmem:s17+$0xED40];
	_ =	sdelay $0x4  }
0x78: {  	v2 =	vshll.u32 v1, $0x1  }
0x79: {  	v3 =	vld [tilespmem:s17+$0x114C0];
	v1 =	vand.u32 $0x7F, v1;
	v2 =	vand.u32 $0xFFFFFF00, v2  }
0x7a: {  	v1 =	vor.u32 v1, v2;
	_ =	sdelay $0x3  }
0x7b: {  	v2 =	vshll.u32 v3, $0x2  }
0x7c: {  	v3 =	vand.u32 $0x7F, v3;
	v2 =	vand.u32 $0xFFFFFE00, v2;
	v4 =	vld.idx.msk [tilespmem:v1+s3+$0x0], $0xffff  }
0x7d: {  	v2 =	vor.u32 v3, v2  }
0x7e: {  	v3 =	vor.u32 $0x80, v2  }
0x7f: {  	v1 =	vor.u32 $0x80, v1;
	_ =	sdelay $0x1  }
0x80: {  	v62 =	vshll.u32 v4, $0x10  }
0x81: {  	v4 =	vand.u32 $0xFFFF0000, v4;
	[tilespmem:v2+s13+$0x0] =	vst.idx.add.f32.msk $0xffff, v62  }
0x82: {  	[tilespmem:v3+s13+$0x0] =	vst.idx.add.f32.msk $0xffff, v4  }
0x83: {  	v1 =	vld.idx.msk [tilespmem:v1+s3+$0x0], $0xffff  }
0x84: {  	v3 =	vor.u32 $0x100, v2  }
0x85: {  	p0 =	sne.s32 s16, $0x9B00;
	v2 =	vor.u32 $0x180, v2  }
.Ltmp1:
0x86: {  	_ = 	snop;
	(pc) =	sbr.rel @p0 .LBB2_4-.Ltmp1, $4  }
0x87: {  	_ = 	snop  }
0x88: {  	v63 =	vshll.u32 v1, $0x10  }
0x89: {  	v1 =	vand.u32 $0xFFFF0000, v1;
	[tilespmem:v3+s13+$0x0] =	vst.idx.add.f32.msk $0xffff, v63  }
0x8a: {  	s16 =	sadd.s32 $0x140, s16;
	[tilespmem:v2+s13+$0x0] =	vst.idx.add.f32.msk $0xffff, v1  }
0x8b: {  	s15 =	sadd.s32 $0x1, s15  }
0x8c: {  	p0 =	sne.s32 s15, s7  }
.Ltmp2:
0x8d: {  	_ = 	snop;
	(pc) =	sbr.rel @p0 .LBB2_1-.Ltmp2, $4  }
0x8e: {  	[hbm4b:s6+s3] =	stream.linear.scatter [tilespmem:s13], [sflag:$0x4], $0x9E00, $0x38;
	[tilespmem:$0x13C00] =	vst v63  }
0x8f: {  	_ =	swait.ge [sflag:s14], $0x9E00  }
0x90: {  	[sflag:s14] =	ssyncset.done $0x0  }
0x91: {  	[sflag:s14] =	ssyncadd.s32 $0xFFFF6200  }
0x92: {  	_ =	sfence.sel $0x180000  }
0x93: {  	[bflag:$0x0] =	sbarrier.arrive $0xFFFF  }
0x94: {  	p0 =	sne.s32 s0, $0x0;
	_ =	strace $0x9000004D  }
0x95: {  	s0 =	sadd.s32 @!p0 $0x100000, s1;
	[bflag:$0x2] =	sbarrier.arrive $0xFFFF  }
0x96: {  	[sflag:s0] =	ssyncadd.tile.s32 @!p0 $0x1;
	_ =	shalt  }
.Lfunc_end2:
_tile_overlayer_lowered:
.L_overlay_start_2:
0x97: {  	(tag) =	ssettag $0x2  }
0x98: {  	s0 =	rddreg [dreg:$0x0];
	s2 =	stileid.u32  }
0x99: {  	s1 =	rddreg [dreg:$0x1];
	p0 =	sne.s32 s2, $0x0  }
0x9a: {  	s3 =	rddreg [dreg:$0x2];
	[bflag:$0x3] =	sbarrier.arrive $0xFFFF;
	s2 =	simm.s32 @!p0 $0x1C04  }
0x9b: {  	[timem:s3], [sflag:s2] =	dma.local @!p0 [hbm:s0], s1  }
0x9c: {  	s0 =	simm.s32 @!p0 $0x4  }
0x9d: {  	_ =	swait.ge @!p0 [sflag:s0], s1  }
0x9e: {  	s1 =	ssub.s32 @!p0 $0x0, s1;
	[sflag:s0] =	ssyncset.done @!p0 $0x0  }
0x9f: {  	[sflag:s0] =	ssyncadd.s32 @!p0 s1  }
0xa0: {  	[bflag:$0x3] =	sbarrier.arrive $0xFFFF  }
0xa1: {  	_ =	shalt  }

// kernel: kernel.20.cloned.1.call-start
scs
__scs_entry_jumppad:
0x0: {  	(pc) =	sbr.rel $0x88, $3  }
0x1: {  	(tag) =	ssettag $0x0;
	lr =	simm.s32 $0x1  }
0x2: {  	[smem:$0x3F97] =	sst lr;
	_ =	strace $0xD0000000  }
0x3: {  	_ = 	snop  }
0x4: {  	_ = 	snop  }
0x5: {  	_ = 	snop  }
0x6: {  	_ = 	snop  }
0x7: {  	_ = 	snop  }
__scs_overlays_trampoline_lowered:
0x8: {  	[smem:$0x3FA6] =	sst s0  }
0x9: {  	[smem:$0x3FA7] =	sst s1  }
0xa: {  	[smem:$0x3FA8] =	sst s2  }
0xb: {  	[smem:$0x3FA9] =	sst s3  }
0xc: {  	[smem:$0x3FAA] =	sst s4  }
0xd: {  	[smem:$0x3FAB] =	sst s5  }
0xe: {  	[smem:$0x3FAC] =	sst s6  }
0xf: {  	[smem:$0x3FAD] =	sst s7  }
0x10: {  	[smem:$0x3FAE] =	sst s8  }
0x11: {  	[smem:$0x3FAF] =	sst s9;
	s0 =	simm.s32 @!p0 $0x0  }
0x12: {  	s1 =	sld [smem:$0x3F95];
	s0 =	simm.s32 @p0 $0x1  }
0x13: {  	[smem:$0x3FB0] =	sst s0;
	s0 =	simm.s32 @!p1 $0x0  }
0x14: {  	s2 =	sld [smem:$0x3F94];
	s0 =	simm.s32 @p1 $0x1  }
0x15: {  	[smem:$0x3FB1] =	sst s0;
	s0 =	simm.s32 @!p2 $0x0  }
0x16: {  	s3 =	sld [smem:$0x3FDB];
	s0 =	simm.s32 @p2 $0x1  }
0x17: {  	s4 =	simm.s32 $0x1BF5;
	[smem:$0x3FB3] =	sst s0  }
0x18: {  	s0 =	sld [smem:$0x3F96];
	_ =	swait.ge [sflag:s4], $0x0  }
0x19: {  	s7 =	sld [smem:$0x3F97]  }
0x1a: {  	s8 =	sadd.s32 $0xFFFFE003, lr  }
0x1b: {  	s9 =	sadd.s32 $0xFFFFFEF7, lr;
	s5 =	simm.s32 $0xFFFFFFFF;
	p2 =	slt.u32 s8, $0xFFFFF086  }
0x1c: {  	p1 =	slt.u32 s9, $0xF7A;
	s5 =	simm.s32 @!p2 $0x0  }
0x1d: {  	s5 =	simm.s32 @p1 $0x1;
	p0 =	seq.s32 s7, s2  }
0x1e: {  	s7 =	smul.u32 @!p0 $0xF7A, s2;
	p2 =	seq.s32 @!p0 s5, $0x0  }
0x1f: {  	s9 =	smul.u32 $0xF7A, s1;
	s8 =	simm.s32 @!p0 $0x1BF5;
	p2 =	por !p2, p0  }
0x20: {  	[sflag:s8] =	ssyncset.s32 @!p0 $0xFFFFF086;
	s6 =	sadd.s32 @!p0 s3, s7;
	s7 =	simm.s32 @!p0 $0x108  }
0x21: {  	s3 =	sadd.s32 s3, s9;
	s6 =	sadd.s32 @!p0 $0x88, s6;
	s7 =	simm.s32 @p2 $0x1082  }
0x22: {  	[simem:s7], [sflag:s8] =	dma.local @!p0 [hbm:s6], $0xF7A  }
0x23: {  	s9 =	sor.u32 $0xD0000000, s2;
	s6 =	simm.s32 $0x108;
	_ =	swait.ge @!p0 [sflag:s8], $0x0  }
0x24: {  	s3 =	sadd.s32 $0x88, s3;
	s6 =	simm.s32 @!p1 $0x1082;
	[sflag:s4] =	ssyncset.s32 $0xFFFFF086  }
0x25: {  	[simem:s6], [sflag:s4] =	dma.local [hbm:s3], $0xF7A  }
0x26: {  	[smem:$0x3F97] =	sst s1;
	(tag) =	ssettag s2;
	_ =	strace s9  }
0x27: {  	s1 =	sld [smem:$0x3FA7]  }
0x28: {  	s2 =	sld [smem:$0x3FA8]  }
0x29: {  	s4 =	sld [smem:$0x3FAA]  }
0x2a: {  	p0 =	seq.s32 s5, $0x0;
	s5 =	sld [smem:$0x3FAB]  }
0x2b: {  	s6 =	sld [smem:$0x3FAC]  }
0x2c: {  	s7 =	sld [smem:$0x3FAD]  }
0x2d: {  	s3 =	simm.s32 $0x108;
	s8 =	sld [smem:$0x3FAE]  }
0x2e: {  	s3 =	simm.s32 @!p0 $0x1082;
	s9 =	sld [smem:$0x3FAF]  }
0x2f: {  	lr =	sadd.s32 s0, s3;
	s0 =	sld [smem:$0x3FA6]  }
0x30: {  	s3 =	sld [smem:$0x3FA9]  }
0x31: {  	[smem:$0x3FB2] =	sst s10  }
0x32: {  	s10 =	sld [smem:$0x3FB0];
	_ =	sdelay $0x3  }
0x33: {  	p0 =	seq.s32 s10, $0x1;
	s10 =	sld [smem:$0x3FB2];
	_ =	sdelay $0x3  }
0x34: {  	[smem:$0x3FB2] =	sst s10  }
0x35: {  	s10 =	sld [smem:$0x3FB1];
	_ =	sdelay $0x3  }
0x36: {  	p1 =	seq.s32 s10, $0x1;
	s10 =	sld [smem:$0x3FB2];
	_ =	sdelay $0x3  }
0x37: {  	[smem:$0x3FB2] =	sst s10  }
0x38: {  	s10 =	sld [smem:$0x3FB3]  }
0x39: {  	_ = 	snop;
	(pc) =	sbr.ind lr, $3  }
0x3a: {  	_ = 	snop  }
0x3b: {  	_ = 	snop  }
0x3c: {  	p2 =	seq.s32 s10, $0x1;
	s10 =	sld [smem:$0x3FB2]  }
0x3d: {  	_ =	shalt  }
0x3e: {  	_ =	shalt  }
0x3f: {  	_ =	shalt  }
0x40: {  	_ =	shalt  }
0x41: {  	_ =	shalt  }
0x42: {  	_ =	shalt  }
0x43: {  	_ =	shalt  }
0x44: {  	_ =	shalt  }
0x45: {  	_ =	shalt  }
0x46: {  	_ =	shalt  }
0x47: {  	_ =	shalt  }
0x48: {  	_ =	shalt  }
0x49: {  	_ =	shalt  }
0x4a: {  	_ =	shalt  }
0x4b: {  	_ =	shalt  }
0x4c: {  	_ =	shalt  }
0x4d: {  	_ =	shalt  }
0x4e: {  	_ =	shalt  }
0x4f: {  	_ =	shalt  }
0x50: {  	_ =	shalt  }
0x51: {  	_ =	shalt  }
0x52: {  	_ =	shalt  }
0x53: {  	_ =	shalt  }
0x54: {  	_ =	shalt  }
0x55: {  	_ =	shalt  }
0x56: {  	_ =	shalt  }
0x57: {  	_ =	shalt  }
0x58: {  	_ =	shalt  }
0x59: {  	_ =	shalt  }
0x5a: {  	_ =	shalt  }
0x5b: {  	_ =	shalt  }
0x5c: {  	_ =	shalt  }
0x5d: {  	_ =	shalt  }
0x5e: {  	_ =	shalt  }
0x5f: {  	_ =	shalt  }
0x60: {  	_ =	shalt  }
0x61: {  	_ =	shalt  }
0x62: {  	_ =	shalt  }
0x63: {  	_ =	shalt  }
0x64: {  	_ =	shalt  }
0x65: {  	_ =	shalt  }
0x66: {  	_ =	shalt  }
0x67: {  	_ =	shalt  }
0x68: {  	_ =	shalt  }
0x69: {  	_ =	shalt  }
0x6a: {  	_ =	shalt  }
0x6b: {  	_ =	shalt  }
0x6c: {  	_ =	shalt  }
0x6d: {  	_ =	shalt  }
0x6e: {  	_ =	shalt  }
0x6f: {  	_ =	shalt  }
0x70: {  	_ =	shalt  }
0x71: {  	_ =	shalt  }
0x72: {  	_ =	shalt  }
0x73: {  	_ =	shalt  }
0x74: {  	_ =	shalt  }
0x75: {  	_ =	shalt  }
0x76: {  	_ =	shalt  }
0x77: {  	_ =	shalt  }
0x78: {  	_ =	shalt  }
0x79: {  	_ =	shalt  }
0x7a: {  	_ =	shalt  }
0x7b: {  	_ =	shalt  }
0x7c: {  	_ =	shalt  }
0x7d: {  	_ =	shalt  }
0x7e: {  	_ =	shalt  }
0x7f: {  	_ =	shalt  }
0x80: {  	_ =	shalt  }
0x81: {  	_ =	shalt  }
0x82: {  	_ =	shalt  }
0x83: {  	_ =	shalt  }
0x84: {  	_ =	shalt  }
0x85: {  	_ =	shalt  }
0x86: {  	_ =	shalt  }
0x87: {  	_ =	shalt  }
.Lfunc_end0:
.L_simem_size_0:
called_computation.3_lowered:
.L_overlay_start_0:
0x88: {  	s2 =	sld [smem:$0x3FD9]  }
0x89: {  	s3 =	sld [smem:$0x3FFE];
	_ =	sdelay $0x1  }
0x8a: {  	s1 =	srdreg.scid  }
0x8b: {  	s0 =	sand.u32 $0x1, s1  }
0x8c: {  	s14 =	sshll.u32 s0, $0xA;
	s2 =	sadd.s32 s3, s2  }
0x8d: {  	s2 =	sadd.s32 s2, s14  }
0x8e: {  	[smem:$0x3FBE] =	sst s2  }
0x8f: {  	_ = 	snop  }
0x90: {  	s2 =	sld [smem:$0x3FD0];
	_ =	sdelay $0x2  }
0x91: {  	s15 =	simm.s32 $0xA;
	s4 =	simm.s32 $0x10  }
0x92: {  	[smem:s4], [sflag:s15] =	dma.local [hbm:s2], $0x1  }
0x93: {  	_ =	swait.eq [sflag:s15], $0x1  }
0x94: {  	[sflag:s15] =	ssyncset.done $0x0  }
0x95: {  	[sflag:s15] =	ssyncadd.s32 $0xFFFFFFFF  }
0x96: {  	s16 =	sld [smem:$0x11];
	(tm) =	ssettm $0x1  }
0x97: {  	s17 =	sld [smem:$0x3FFB];
	_ =	sdelay $0x3  }
0x98: {  	_ =	strace s17  }
0x99: {  	s3 =	sld [smem:$0x3FFC];
	_ =	sdelay $0x3  }
0x9a: {  	_ =	strace s3  }
0x9b: {  	s3 =	sld [smem:$0x3FFD];
	_ =	sdelay $0x3  }
0x9c: {  	_ =	strace s3  }
0x9d: {  	_ =	strace $0x8FFFFFFF  }
0x9e: {  	s18 =	sld [smem:$0x3FDB];
	_ =	sdelay $0x1  }
0x9f: {  	s19 =	simm.s32 $_scs_section_size  }
0xa0: {  	s5 =	simm.s32 $_size__tile_overlayer_lowered;
	s6 =	simm.s32 $_tile_overlayer_lowered  }
0xa1: {  	s22 =	simm.s32 $0x1BFF;
	s21 =	sshll.u32 s6, $0x1;
	s3 =	sadd.s32 s19, s18  }
0xa2: {  	s7 =	simm.s32 $0x0;
	s20 =	sshll.u32 s5, $0x1;
	s5 =	sadd.s32 s21, s3  }
0xa3: {  	[timem:s7], [sflag:s22] =	dma.local [hbm:s5], s20  }
0xa4: {  	_ =	swait.ge [sflag:s22], s20  }
0xa5: {  	s4 =	ssub.s32 $0x0, s20;
	[sflag:s22] =	ssyncset.done $0x0  }
0xa6: {  	[sflag:s22] =	ssyncadd.s32 s4;
	_ =	sdelay $0x1  }
0xa7: {  	s23 =	simm.s32 $0x1B8B  }
0xa8: {  	_ =	swait.ge [sflag:s23], $0x1  }
0xa9: {  	[sflag:s23] =	ssyncset.done $0x0  }
0xaa: {  	s25 =	simm.s32 $0x1B8E;
	s24 =	sld [smem:$0x3FFE];
	[sflag:s23] =	ssyncadd.s32 $0xFFFFFFFF  }
0xab: {  	s26 =	simm.s32 $execute0_lowered;
	[smem:$0x3FD2] =	sst s25  }
0xac: {  	s5 =	sshll.u32 s26, $0x1;
	_ =	strace $0x8000004F;
	[dreg:$0x1] =	wrdreg $0xFFFFFFFF  }
0xad: {  	s28 =	simm.s32 $_size_execute0_lowered;
	s3 =	sadd.s32 s3, s5;
	[dreg:$0x0] =	wrdreg $0x0  }
0xae: {  	s5 =	sshll.u32 s28, $0x1;
	[dreg:$0x2] =	wrdreg s3  }
0xaf: {  	[dreg:$0x3] =	wrdreg s5  }
0xb0: {  	[dreg:$0x4] =	wrdreg $0xC0  }
0xb1: {  	_ =	task [dreg:s7], $0x5FFFF  }
0xb2: {  	[dreg:$0x1] =	wrdreg $0xFFFFFFFF  }
0xb3: {  	[dreg:$0x0] =	wrdreg $0x60  }
0xb4: {  	[dreg:$0x2] =	wrdreg s16  }
0xb5: {  	[dreg:$0x3] =	wrdreg s24  }
0xb6: {  	[dreg:$0x4] =	wrdreg $0x9  }
0xb7: {  	_ =	task.clear_ibuf [dreg:s7], $0x5FFFF;
	_ =	strace $0x9000004F  }
0xb8: {  	s29 =	simm.s32 $0x9;
	_ =	strace $0x80000051  }
0xb9: {  	_ =	swait.ge [sflag:s29], $0x1  }
0xba: {  	[sflag:s29] =	ssyncadd.s32 $0xFFFFFFFF  }
0xbb: {  	_ =	strace $0x90000051  }
0xbc: {  	_ =	sfence  }
0xbd: {  	s30 =	sld [smem:$0x0];
	_ =	sdelay $0x2  }
0xbe: {  	s31 =	sshll.u32 s1, $0xD;
	s1 =	sshrl.u32 s1, $0x2  }
0xbf: {  	s3 =	sand.u32 $0x4000, s31;
	s1 =	sadd.s32 s1, s30  }
0xc0: {  	s0 =	sor.u32 s3, s0;
	s1 =	sshll.u32 s1, $0x11  }
0xc1: {  	s0 =	sor.u32 s1, s0  }
0xc2: {  	s0 =	sadd.s32 $0x8F2B, s0  }
0xc3: {  	[sflag:s0] =	ssyncadd.remote.s32 $0x1  }
0xc4: {  	_ =	sfence.sel $0xFFFF  }
0xc5: {  	[dreg:$0x0] =	wrdreg $0xFFFFFFFF;
	(pc) =	sbr.abs _section_cstart, $3  }
0xc6: {  	[dreg:$0x1] =	wrdreg $0xFFFFFFFF  }
0xc7: {  	_ =	task.clear_ibuf [dreg:s7], $0x2FFFF;
	_ =	strace $0x9FFFFFFF  }
0xc8: {  	(tm) =	ssettm $0x7FFFFFFF  }
0xc9: {  	_ =	shalt  }
tec
execute0_lowered:
.L_overlay_start_1:
0x0: {  	(tag) =	ssettag $0x1  }
0x1: {  	s1 =	srdreg.scid;
	s2 =	rddreg [dreg:$0x0]  }
0x2: {  	s0 =	stileid.u32;
	s5 =	rddreg [dreg:$0x1]  }
0x3: {  	s3 =	simm.s32 $0x0;
	s9 =	simm.s32 $0x9E00;
	s10 =	simm.s32 $0x1  }
0x4: {  	s11 =	simm.s32 $0x2;
	s4 =	sand.u32 $0x1, s1;
	s31 =	sshll.u32 s0, $0x1  }
0x5: {  	s12 =	simm.s32 $0x3;
	s13 =	simm.s32 $0x2780;
	s6 =	sor.u32 s4, s31  }
0x6: {  	s14 =	simm.s32 $0x4;
	s1 =	rddreg [dreg:$0x2];
	s7 =	smul.u32 $0x2710, s6  }
0x7: {  	s15 =	simm.s32 $0x0;
	[smem:$0x7FF] =	sst s3;
	s6 =	smul.u32 $0x9E0, s6  }
0x8: {  	s4 =	ssub.s32 $0x2, s4;
	_ =	strace $0x80000050;
	s7 =	sshrl.u32 s7, $0x3  }
0x9: {  	s8 =	sshrl.u32 s4, $0x1;
	s6 =	sadd.s32 s6, s5;
	s7 =	sadd.s32 s7, s5  }
0xa: {  	s8 =	ssub.s32 s4, s8;
	s6 =	sadd.s32 $0x17800, s6;
	s4 =	sadd.s32 $0x3E00, s7  }
0xb: {  	v0 =	vimm.f32 $0.0e+00;
	s5 =	sadd.s32 $0xDA40, s7;
	s7 =	smax.u32 s8, $0x1;
	s8 =	simm.s32 $0x7680  }
.LBB2_1:
0xc: {  	[tilespmem:s3], [sflag:$0x1] =	stream.linear.gather [hbm4b:s2+s3], $0x2780, $0x38;
	[tilespmem:$0xC580] =	vst v63  }
0xd: {  	s16 =	simm.s32 $0x0;
	s17 =	sand.u32 $0x60, s3;
	s18 =	sand.u32 $0x7F00, s3  }
0xe: {  	[tilespmem:s8], [sflag:$0x2] =	stream.linear.gather [hbm4b:s4+s3], $0x2710, $0x38;
	[tilespmem:$0xC580] =	vst v63  }
0xf: {  	s19 =	simm.s32 $0x0;
	s17 =	sor.u32 s17, s18;
	s18 =	simm.s32 $0x0  }
0x10: {  	[tilespmem:s9], [sflag:$0x3] =	stream.linear.gather [hbm4b:s5+s3], $0x2710, $0x38;
	[tilespmem:$0xC580] =	vst v63  }
.LBB2_2:
0x11: {  	s16 =	sadd.s32 $0x2, s16  }
0x12: {  	[tilespmem:s17+$0x2790] =	vst v0;
	s18 =	sadd.s32 $0x40, s18;
	s19 =	sadd.s32 $0x20, s19;
	p0 =	slt.u32 s16, $0x26E  }
.Ltmp0:
0x13: {  	[tilespmem:s17+$0x2800] =	vst v0;
	(pc) =	sbr.rel @p0 .LBB2_2-.Ltmp0, $4  }
0x14: {  	[tilespmem:s17+$0x2810] =	vst v0  }
0x15: {  	[tilespmem:s17+$0x2780] =	vst v0  }
0x16: {  	s20 =	sand.u32 $0x7F00, s18;
	s17 =	sand.u32 $0x60, s19  }
0x17: {  	s17 =	sor.u32 s17, s20  }
0x18: {  	[tilespmem:s17+$0x2790] =	vst v0  }
0x19: {  	[tilespmem:s17+$0x2800] =	vst v0  }
0x1a: {  	[tilespmem:s17+$0x2810] =	vst v0  }
0x1b: {  	[tilespmem:s17+$0x2780] =	vst v0  }
0x1c: {  	[tilespmem:$0x7580] =	vst v0  }
0x1d: {  	[tilespmem:$0x7600] =	vst v0  }
0x1e: {  	_ =	swait.ge [sflag:s10], $0x2780  }
0x1f: {  	[sflag:s10] =	ssyncset.done $0x0  }
0x20: {  	[sflag:s10] =	ssyncadd.s32 $0xFFFFD880  }
0x21: {  	_ =	swait.ge [sflag:s11], $0x2710  }
0x22: {  	[sflag:s11] =	ssyncset.done $0x0  }
0x23: {  	[sflag:s11] =	ssyncadd.s32 $0xFFFFD8F0  }
0x24: {  	_ =	swait.ge [sflag:s12], $0x2710  }
0x25: {  	[sflag:s12] =	ssyncset.done $0x0  }
0x26: {  	s16 =	simm.s32 $0x0;
	[sflag:s12] =	ssyncadd.s32 $0xFFFFD8F0  }
.LBB2_4:
0x27: {  	s17 =	sshra.s32 s16, $0x2  }
0x28: {  	v1 =	vld [tilespmem:s17+$0x7680];
	_ =	sdelay $0x1  }
0x29: {  	v2 =	vld [tilespmem:s17+$0x9E00];
	_ =	sdelay $0x4  }
0x2a: {  	v3 =	vshll.u32 v2, $0x1  }
0x2b: {  	v2 =	vand.u32 $0x7F, v2;
	v3 =	vand.u32 $0xFFFFFF00, v3;
	v1 =	vld.idx.msk [tilespmem:v1+s3+$0x0], $0xffff  }
0x2c: {  	v2 =	vor.u32 v2, v3  }
0x2d: {  	v3 =	vor.u32 $0x80, v2;
	_ =	sdelay $0x2  }
0x2e: {  	v4 =	vshll.u32 v1, $0x10  }
0x2f: {  	v1 =	vand.u32 $0xFFFF0000, v1;
	[tilespmem:v2+s13+$0x0] =	vst.idx.add.f32.msk $0xffff, v4  }
0x30: {  	[tilespmem:v3+s13+$0x0] =	vst.idx.add.f32.msk $0xffff, v1  }
0x31: {  	v1 =	vld [tilespmem:s17+$0x7690];
	_ =	sdelay $0x1  }
0x32: {  	v2 =	vld [tilespmem:s17+$0x9E10];
	_ =	sdelay $0x4  }
0x33: {  	v3 =	vshll.u32 v2, $0x1  }
0x34: {  	v2 =	vand.u32 $0x7F, v2;
	v3 =	vand.u32 $0xFFFFFF00, v3;
	v1 =	vld.idx.msk [tilespmem:v1+s3+$0x0], $0xffff  }
0x35: {  	v2 =	vor.u32 v2, v3  }
0x36: {  	v3 =	vor.u32 $0x80, v2;
	_ =	sdelay $0x2  }
0x37: {  	v60 =	vshll.u32 v1, $0x10  }
0x38: {  	v1 =	vand.u32 $0xFFFF0000, v1;
	[tilespmem:v2+s13+$0x0] =	vst.idx.add.f32.msk $0xffff, v60  }
0x39: {  	[tilespmem:v3+s13+$0x0] =	vst.idx.add.f32.msk $0xffff, v1  }
0x3a: {  	v1 =	vld [tilespmem:s17+$0x76A0];
	_ =	sdelay $0x1  }
0x3b: {  	v2 =	vld [tilespmem:s17+$0x9E20];
	_ =	sdelay $0x4  }
0x3c: {  	v3 =	vshll.u32 v2, $0x1  }
0x3d: {  	v2 =	vand.u32 $0x7F, v2;
	v3 =	vand.u32 $0xFFFFFF00, v3;
	v1 =	vld.idx.msk [tilespmem:v1+s3+$0x0], $0xffff  }
0x3e: {  	v2 =	vor.u32 v2, v3  }
0x3f: {  	v3 =	vor.u32 $0x80, v2;
	_ =	sdelay $0x2  }
0x40: {  	v61 =	vshll.u32 v1, $0x10  }
0x41: {  	v1 =	vand.u32 $0xFFFF0000, v1;
	[tilespmem:v2+s13+$0x0] =	vst.idx.add.f32.msk $0xffff, v61  }
0x42: {  	[tilespmem:v3+s13+$0x0] =	vst.idx.add.f32.msk $0xffff, v1  }
0x43: {  	v1 =	vld [tilespmem:s17+$0x76B0];
	_ =	sdelay $0x1  }
0x44: {  	v2 =	vld [tilespmem:s17+$0x9E30];
	_ =	sdelay $0x4  }
0x45: {  	v3 =	vshll.u32 v2, $0x1  }
0x46: {  	v2 =	vand.u32 $0x7F, v2;
	v3 =	vand.u32 $0xFFFFFF00, v3;
	v1 =	vld.idx.msk [tilespmem:v1+s3+$0x0], $0xffff  }
0x47: {  	v2 =	vor.u32 v2, v3  }
0x48: {  	v3 =	vor.u32 $0x80, v2;
	_ =	sdelay $0x2  }
0x49: {  	v62 =	vshll.u32 v1, $0x10  }
0x4a: {  	v1 =	vand.u32 $0xFFFF0000, v1;
	[tilespmem:v2+s13+$0x0] =	vst.idx.add.f32.msk $0xffff, v62  }
0x4b: {  	[tilespmem:v3+s13+$0x0] =	vst.idx.add.f32.msk $0xffff, v1  }
0x4c: {  	v1 =	vld [tilespmem:s17+$0x76C0];
	_ =	sdelay $0x1  }
0x4d: {  	v2 =	vld [tilespmem:s17+$0x9E40];
	_ =	sdelay $0x4  }
0x4e: {  	v3 =	vshll.u32 v2, $0x1  }
0x4f: {  	v2 =	vand.u32 $0x7F, v2;
	v3 =	vand.u32 $0xFFFFFF00, v3;
	v1 =	vld.idx.msk [tilespmem:v1+s3+$0x0], $0xffff  }
0x50: {  	v2 =	vor.u32 v2, v3  }
0x51: {  	p0 =	sne.s32 s16, $0x9B00;
	v3 =	vor.u32 $0x80, v2  }
.Ltmp1:
0x52: {  	_ = 	snop;
	(pc) =	sbr.rel @p0 .LBB2_4-.Ltmp1, $4  }
0x53: {  	_ = 	snop  }
0x54: {  	v63 =	vshll.u32 v1, $0x10  }
0x55: {  	v1 =	vand.u32 $0xFFFF0000, v1;
	[tilespmem:v2+s13+$0x0] =	vst.idx.add.f32.msk $0xffff, v63  }
0x56: {  	s16 =	sadd.s32 $0x140, s16;
	[tilespmem:v3+s13+$0x0] =	vst.idx.add.f32.msk $0xffff, v1  }
0x57: {  	s15 =	sadd.s32 $0x1, s15  }
0x58: {  	p0 =	sne.s32 s15, s7  }
.Ltmp2:
0x59: {  	_ = 	snop;
	(pc) =	sbr.rel @p0 .LBB2_1-.Ltmp2, $4  }
0x5a: {  	[hbm4b:s6+s3] =	stream.linear.scatter [tilespmem:s13], [sflag:$0x4], $0x4F00, $0x38;
	[tilespmem:$0xC580] =	vst v63  }
0x5b: {  	_ =	swait.ge [sflag:s14], $0x4F00  }
0x5c: {  	[sflag:s14] =	ssyncset.done $0x0  }
0x5d: {  	[sflag:s14] =	ssyncadd.s32 $0xFFFFB100  }
0x5e: {  	_ =	sfence.sel $0x180000  }
0x5f: {  	[bflag:$0x0] =	sbarrier.arrive $0xFFFF  }
0x60: {  	p0 =	sne.s32 s0, $0x0;
	_ =	strace $0x90000050  }
0x61: {  	s0 =	sadd.s32 @!p0 $0x100000, s1;
	[bflag:$0x2] =	sbarrier.arrive $0xFFFF  }
0x62: {  	[sflag:s0] =	ssyncadd.tile.s32 @!p0 $0x1;
	_ =	shalt  }
.Lfunc_end2:
_tile_overlayer_lowered:
.L_overlay_start_2:
0x63: {  	(tag) =	ssettag $0x2  }
0x64: {  	s0 =	rddreg [dreg:$0x0];
	s2 =	stileid.u32  }
0x65: {  	s1 =	rddreg [dreg:$0x1];
	p0 =	sne.s32 s2, $0x0  }
0x66: {  	s3 =	rddreg [dreg:$0x2];
	[bflag:$0x3] =	sbarrier.arrive $0xFFFF;
	s2 =	simm.s32 @!p0 $0x1C04  }
0x67: {  	[timem:s3], [sflag:s2] =	dma.local @!p0 [hbm:s0], s1  }
0x68: {  	s0 =	simm.s32 @!p0 $0x4  }
0x69: {  	_ =	swait.ge @!p0 [sflag:s0], s1  }
0x6a: {  	s1 =	ssub.s32 @!p0 $0x0, s1;
	[sflag:s0] =	ssyncset.done @!p0 $0x0  }
0x6b: {  	[sflag:s0] =	ssyncadd.s32 @!p0 s1  }
0x6c: {  	[bflag:$0x3] =	sbarrier.arrive $0xFFFF  }
0x6d: {  	_ =	shalt  }

</sc_bundles>
